<compile_context>
chip_gen: v7x
topology: tpu7x:2x2x1
jax: 0.10.2.dev20260603
libtpu: 0.0.44.dev20260713+nightly
codegen_flags: <defaults>
</compile_context>

<pallas_src>
import functools

import jax
import jax.numpy as jnp
from jax import lax
from jax.experimental import pallas as pl
from jax.experimental.pallas import tpu as pltpu
from jax.experimental.pallas import tpu_sc as plsc

B, N, D, S, K, C = 8, 2048, 128, 512, 32, 256
M = B * S
R = M * K
TS = 256
TR = 1024
NML = float(M * K)
EPS = 1e-5



def _topk_body(a_ref, bm_ref, out_ref):
    b = pl.program_id(0)
    a = a_ref[0]
    bm = bm_ref[0]
    dot = jnp.dot(a, bm, preferred_element_type=jnp.float32)
    ax, ay, az = a[:, 0:1], a[:, 1:2], a[:, 2:3]
    cx, cy, cz = bm[0:1, :], bm[1:2, :], bm[2:3, :]
    nc2 = ax * ax + ay * ay + az * az
    c2 = cx * cx + cy * cy + cz * cz
    d2 = (nc2 - 2.0 * dot) + c2
    col = lax.broadcasted_iota(jnp.int32, (TS, N), 1).astype(jnp.float32)
    lane = lax.broadcasted_iota(jnp.int32, (TS, K), 1).astype(jnp.float32)
    res = jnp.zeros((TS, K), jnp.float32)
    inf = jnp.float32(jnp.inf)
    fn = jnp.float32(N)
    for j in range(K):
        vmin = jnp.min(d2, axis=1, keepdims=True)
        cand = jnp.where(d2 == vmin, col, fn)
        amin = jnp.min(cand, axis=1, keepdims=True)
        res = jnp.where(lane == j, amin, res)
        d2 = jnp.where(col == amin, inf, d2)
    out_ref[0] = res.astype(jnp.int32) + b * N


def _topk_indices(coords):
    a = jnp.pad(coords[:, ::4, :], ((0, 0), (0, 0), (0, 5)))
    bm = jnp.pad(jnp.transpose(coords, (0, 2, 1)),
                 ((0, 0), (0, 5), (0, 0)))
    idx = pl.pallas_call(
        _topk_body,
        grid=(B, S // TS),
        in_specs=[
            pl.BlockSpec((1, TS, 8), lambda b, t: (b, t, 0)),
            pl.BlockSpec((1, 8, N), lambda b, t: (b, 0, 0)),
        ],
        out_specs=pl.BlockSpec((1, TS, K), lambda b, t: (b, t, 0)),
        out_shape=jax.ShapeDtypeStruct((B, S, K), jnp.int32),
        compiler_params=pltpu.CompilerParams(
            dimension_semantics=("arbitrary", "arbitrary")),
    )(a, bm)
    return idx.reshape(R)



IDX_COLS = 128
ROWS_PER_W = R // 32
CHUNKS = ROWS_PER_W // IDX_COLS


def _sc_gather(table, idx2d):
    mesh = plsc.VectorSubcoreMesh(core_axis_name="c", subcore_axis_name="s")

    @functools.partial(
        pl.kernel,
        mesh=mesh,
        out_type=jax.ShapeDtypeStruct((R, D), jnp.float32),
        scratch_types=[
            pltpu.VMEM((CHUNKS, IDX_COLS), jnp.int32),
            pltpu.VMEM((IDX_COLS, D), jnp.float32),
            pltpu.VMEM((IDX_COLS, D), jnp.float32),
            pltpu.SemaphoreType.DMA,
            pltpu.SemaphoreType.DMA,
        ],
    )
    def k(table_hbm, idx_hbm, out_hbm, idx_v, buf_a, buf_b, sem_a, sem_b):
        wid = lax.axis_index("s") * 2 + lax.axis_index("c")
        base = wid * ROWS_PER_W
        pltpu.sync_copy(idx_hbm.at[pl.ds(wid * CHUNKS, CHUNKS)], idx_v)

        def body(i, _):
            ca = pltpu.async_copy(table_hbm.at[idx_v.at[2 * i]], buf_a, sem_a)
            cb = pltpu.async_copy(table_hbm.at[idx_v.at[2 * i + 1]], buf_b,
                                  sem_b)
            ca.wait()
            pltpu.sync_copy(
                buf_a, out_hbm.at[pl.ds(base + 2 * i * IDX_COLS, IDX_COLS)])
            cb.wait()
            pltpu.sync_copy(
                buf_b, out_hbm.at[pl.ds(base + (2 * i + 1) * IDX_COLS,
                                        IDX_COLS)])
            return 0

        lax.fori_loop(0, CHUNKS // 2, body, 0)

    return k(table, idx2d)



def _c1_body(g_ref, c_ref, w1a_ref, w1d_ref, h1_ref, st_ref):
    bf = jnp.bfloat16
    h = jnp.dot(g_ref[...].astype(bf), w1a_ref[...].astype(bf),
                preferred_element_type=jnp.float32)
    v = jnp.dot(c_ref[...].astype(bf), w1d_ref[...].astype(bf),
                preferred_element_type=jnp.float32)
    h = (h.reshape(TR // K, K, C) + v[:, None, :]).reshape(TR, C)
    h1_ref[...] = h.astype(jnp.bfloat16)

    @pl.when(pl.program_id(0) == 0)
    def _():
        st_ref[...] = jnp.zeros((8, C), jnp.float32)

    st_ref[0:1, :] += jnp.sum(h, axis=0, keepdims=True)
    st_ref[1:2, :] += jnp.sum(h * h, axis=0, keepdims=True)


def _c2_body(h1_ref, st1_ref, w2_ref, g1_ref, b1_ref, p_ref, st_ref):
    st = st1_ref[...]
    mean = st[0:1, :] * (1.0 / NML)
    var = st[1:2, :] * (1.0 / NML) - mean * mean
    rstd = 1.0 / jnp.sqrt(var + EPS)
    scale = rstd * g1_ref[...]
    shift = b1_ref[...] - mean * scale
    a = jnp.maximum(h1_ref[...].astype(jnp.float32) * scale + shift, 0.0)
    h2 = jnp.dot(a.astype(jnp.bfloat16), w2_ref[...].astype(jnp.bfloat16),
                 preferred_element_type=jnp.float32)
    p_ref[...] = jnp.max(h2.reshape(TR // K, K, C), axis=1)

    @pl.when(pl.program_id(0) == 0)
    def _():
        st_ref[...] = jnp.zeros((8, C), jnp.float32)

    st_ref[0:1, :] += jnp.sum(h2, axis=0, keepdims=True)
    st_ref[1:2, :] += jnp.sum(h2 * h2, axis=0, keepdims=True)


def _c3_body(p_ref, st2_ref, g2_ref, b2_ref, out_ref):
    st = st2_ref[...]
    mean = st[0:1, :] * (1.0 / NML)
    var = st[1:2, :] * (1.0 / NML) - mean * mean
    rstd = 1.0 / jnp.sqrt(var + EPS)
    scale = rstd * g2_ref[...]
    shift = b2_ref[...] - mean * scale
    out_ref[...] = jnp.maximum(p_ref[...] * scale + shift, 0.0)


def _conv_pipeline(G, centers, w1aT, w1dT, w2T, bn1_g, bn1_b, bn2_g, bn2_b):
    nsteps = R // TR
    h1, st1 = pl.pallas_call(
        _c1_body,
        grid=(nsteps,),
        in_specs=[
            pl.BlockSpec((TR, D), lambda t: (t, 0)),
            pl.BlockSpec((TR // K, D), lambda t: (t, 0)),
            pl.BlockSpec((D, C), lambda t: (0, 0)),
            pl.BlockSpec((D, C), lambda t: (0, 0)),
        ],
        out_specs=[
            pl.BlockSpec((TR, C), lambda t: (t, 0)),
            pl.BlockSpec((8, C), lambda t: (0, 0)),
        ],
        out_shape=[
            jax.ShapeDtypeStruct((R, C), jnp.bfloat16),
            jax.ShapeDtypeStruct((8, C), jnp.float32),
        ],
        compiler_params=pltpu.CompilerParams(
            dimension_semantics=("arbitrary",)),
    )(G, centers, w1aT, w1dT)

    p, st2 = pl.pallas_call(
        _c2_body,
        grid=(nsteps,),
        in_specs=[
            pl.BlockSpec((TR, C), lambda t: (t, 0)),
            pl.BlockSpec((8, C), lambda t: (0, 0)),
            pl.BlockSpec((C, C), lambda t: (0, 0)),
            pl.BlockSpec((1, C), lambda t: (0, 0)),
            pl.BlockSpec((1, C), lambda t: (0, 0)),
        ],
        out_specs=[
            pl.BlockSpec((TR // K, C), lambda t: (t, 0)),
            pl.BlockSpec((8, C), lambda t: (0, 0)),
        ],
        out_shape=[
            jax.ShapeDtypeStruct((M, C), jnp.float32),
            jax.ShapeDtypeStruct((8, C), jnp.float32),
        ],
        compiler_params=pltpu.CompilerParams(
            dimension_semantics=("arbitrary",)),
    )(h1, st1, w2T, bn1_g.reshape(1, C), bn1_b.reshape(1, C))

    out = pl.pallas_call(
        _c3_body,
        grid=(4,),
        in_specs=[
            pl.BlockSpec((M // 4, C), lambda t: (t, 0)),
            pl.BlockSpec((8, C), lambda t: (0, 0)),
            pl.BlockSpec((1, C), lambda t: (0, 0)),
            pl.BlockSpec((1, C), lambda t: (0, 0)),
        ],
        out_specs=pl.BlockSpec((M // 4, C), lambda t: (t, 0)),
        out_shape=jax.ShapeDtypeStruct((M, C), jnp.float32),
        compiler_params=pltpu.CompilerParams(
            dimension_semantics=("arbitrary",)),
    )(p, st2, bn2_g.reshape(1, C), bn2_b.reshape(1, C))
    return out



def kernel(x, coords, conv1_w, conv2_w, bn1_g, bn1_b, bn2_g, bn2_b, k):
    del k
    idx = _topk_indices(coords)
    feats2d = jnp.transpose(x, (0, 2, 1)).reshape(B * N, D)
    G = _sc_gather(feats2d, idx.reshape(R // IDX_COLS, IDX_COLS))
    centers = feats2d.reshape(B, N, D)[:, ::4, :].reshape(M, D)
    w1a = conv1_w[:, :D]
    w1d = conv1_w[:, D:] - w1a
    out = _conv_pipeline(G, centers, w1a.T, w1d.T, conv2_w.T,
                         bn1_g, bn1_b, bn2_g, bn2_b)
    h = out.reshape(B, S, C).transpose(0, 2, 1)
    return (coords, h)

# --- scband reference (transcript-rebuilt; emitter-appended) ---
"""Pipeline reference for scband-sg-knn-33097017983615 (READ-ONLY COPY).

The authoritative reference and input builder live on the scoring server;
editing this copy changes nothing except your own understanding.
"""

import jax, jax.numpy as jnp
import numpy as np

S = 512
KK = 32

def setup_inputs(seed: int = 0):
    key = jax.random.key(seed)
    ks = jax.random.split(key, 4)
    B, N, Cin, Cout = 8, 2048, 256, 256
    x = jax.random.normal(ks[0], (B, Cin // 2, N), dtype=jnp.float32)
    coords = jax.random.uniform(ks[1], (B, N, 3), dtype=jnp.float32)
    conv1_w = jax.random.normal(ks[2], (Cin, Cin), dtype=jnp.float32) * (1.0 / np.sqrt(Cin))
    conv2_w = jax.random.normal(ks[3], (Cout, Cin), dtype=jnp.float32) * (1.0 / np.sqrt(Cin))
    bn1_g = jnp.ones((Cin,), jnp.float32)
    bn1_b = jnp.zeros((Cin,), jnp.float32)
    bn2_g = jnp.ones((Cout,), jnp.float32)
    bn2_b = jnp.zeros((Cout,), jnp.float32)
    return {"x": x, "coords": coords, "conv1_w": conv1_w, "conv2_w": conv2_w,
            "bn1_g": bn1_g, "bn1_b": bn1_b, "bn2_g": bn2_g, "bn2_b": bn2_b, "k": 32}

def _bn(feat, g, b, eps=1e-5):
    # feat: [M, C, L]; training-mode BatchNorm1d over (M, L)
    mean = jnp.mean(feat, axis=(0, 2), keepdims=True)
    var = jnp.var(feat, axis=(0, 2), keepdims=True)
    return (feat - mean) / jnp.sqrt(var + eps) * g[None, :, None] + b[None, :, None]

def _knn_group(s, k, coords, features):
    # coords: [B, N, 3]; features: [B, N, D]
    B, N, D = features.shape
    stride = N // s
    idx = jnp.arange(s) * stride
    new_coords = coords[:, idx, :]                 # [B, s, 3] sampled centers
    center = features[:, idx, :]                   # [B, s, D]
    d2 = (jnp.sum(new_coords ** 2, axis=-1, keepdims=True)
          - 2.0 * jnp.einsum('bsd,bnd->bsn', new_coords, coords)
          + jnp.sum(coords ** 2, axis=-1)[:, None, :])  # [B, s, N]
    _, knn_idx = jax.lax.top_k(-d2, k)             # [B, s, k] nearest neighbors
    grouped = jax.vmap(lambda f, i: f[i])(features, knn_idx)  # [B, s, k, D]
    rel = grouped - center[:, :, None, :]
    cen = jnp.broadcast_to(center[:, :, None, :], rel.shape)
    return jnp.concatenate([rel, cen], axis=-1)    # [B, s, k, 2D]

def reference(x, coords, conv1_w, conv2_w, bn1_g, bn1_b, bn2_g, bn2_b, k):
    feats = jnp.transpose(x, (0, 2, 1))            # [B, N, D]
    nf = _knn_group(S, 32, coords, feats)          # k arg ignored; module hardcodes 32
    b, s, kk, d = nf.shape
    nf = jnp.transpose(nf, (0, 1, 3, 2)).reshape(-1, d, kk)  # [b*s, d, kk]
    h = jnp.einsum('oc,mcl->mol', conv1_w, nf)
    h = jax.nn.relu(_bn(h, bn1_g, bn1_b))
    h = jnp.einsum('oc,mcl->mol', conv2_w, h)
    h = jax.nn.relu(_bn(h, bn2_g, bn2_b))
    h = jnp.max(h, axis=-1)                        # adaptive_max_pool1d(.,1)
    h = h.reshape(b, s, -1).transpose(0, 2, 1)     # [b, out_channels, s]
    return (coords, h)

if __name__ == "__main__":
    import jax
    _d = setup_inputs()
    print(jax.jit(kernel)(*tuple(_d.values())))

</pallas_src>

<mosaic_0001>
#map = affine_map<(d0, d1) -> (0, 0)>
module attributes {stable_mosaic.version = 14 : i64} {
  func.func @k(%arg0: i32, %arg1: i32, %arg2: memref<16384x128xf32, #tpu.memory_space<hbm>>, %arg3: memref<1024x128xi32, #tpu.memory_space<hbm>>, %arg4: memref<131072x128xf32, #tpu.memory_space<hbm>>, %arg5: memref<32x128xi32, #tpu.memory_space<vmem>>, %arg6: memref<128x128xf32, #tpu.memory_space<vmem>>, %arg7: memref<128x128xf32, #tpu.memory_space<vmem>>, %arg8: memref<!tpu.dma_semaphore, #tpu.memory_space<semaphore_mem>>, %arg9: memref<!tpu.dma_semaphore, #tpu.memory_space<semaphore_mem>>) attributes {dimension_semantics = [#tpu.dimension_semantics<core_parallel>, #tpu.dimension_semantics<subcore_parallel>], iteration_bounds = array<i64: 2, 16>, scalar_prefetch = 0 : i64, scratch_operands = 5 : i64, tpu.core_type = #tpu.core_type<sc_vector_subcore>, window_params = [{transform_indices = #map}, {transform_indices = #map}, {transform_indices = #map}]} {
    %mul3A = arith.constant 2 : i32
    %mul3A_0 = arith.muli %arg1, %mul3A : i32
    %add3A = arith.addi %mul3A_0, %arg0 : i32
    %mul3A_1 = arith.constant 4096 : i32
    %mul3A_2 = arith.muli %add3A, %mul3A_1 : i32
    %mul3A_3 = arith.constant 32 : i32
    %mul3A_4 = arith.muli %add3A, %mul3A_3 : i32
    "tpu.region"() ({
      %run_scoped3A = tpu.sem_alloc : memref<!tpu.dma_semaphore, #tpu.memory_space<semaphore_mem>>
      %dma_start3A = arith.constant 0 : i32
      %dma_start3A_11 = tpu.memref_slice %arg3[%mul3A_4, %dma_start3A] : memref<1024x128xi32, #tpu.memory_space<hbm>> -> memref<32x128xi32, #tpu.memory_space<hbm>>
      %dma_start3A_12 = arith.constant 0 : i32
      %dma_start3A_13 = tpu.memref_slice %arg3[%mul3A_4, %dma_start3A_12] : memref<1024x128xi32, #tpu.memory_space<hbm>> -> memref<32x128xi32, #tpu.memory_space<hbm>>
      tpu.enqueue_dma source(%dma_start3A_13 : memref<32x128xi32, #tpu.memory_space<hbm>>) target(%arg5 : memref<32x128xi32, #tpu.memory_space<vmem>>) target_semaphore(%run_scoped3A : memref<!tpu.dma_semaphore, #tpu.memory_space<semaphore_mem>>)
      %dma_wait3A = arith.constant 0 : i32
      %dma_wait3A_14 = tpu.memref_slice %arg3[%mul3A_4, %dma_wait3A] : memref<1024x128xi32, #tpu.memory_space<hbm>> -> memref<32x128xi32, #tpu.memory_space<hbm>>
      %dma_wait3A_15 = arith.constant 0 : i32
      %dma_wait3A_16 = tpu.memref_slice %arg3[%mul3A_4, %dma_wait3A_15] : memref<1024x128xi32, #tpu.memory_space<hbm>> -> memref<32x128xi32, #tpu.memory_space<hbm>>
      tpu.wait_dma2 semaphore(%run_scoped3A : memref<!tpu.dma_semaphore, #tpu.memory_space<semaphore_mem>>) src(%dma_wait3A_16 : memref<32x128xi32, #tpu.memory_space<hbm>>) dst(%arg5 : memref<32x128xi32, #tpu.memory_space<vmem>>)
      tpu.yield
    }) : () -> ()
    %scan3A = arith.constant 0 : i32
    %scan3A_5 = arith.constant 0 : i32
    %scan3A_6 = arith.constant 16 : i32
    %scan3A_7 = arith.addi %scan3A_5, %scan3A_6 : i32
    %scan3A_8 = arith.constant 1 : i32
    %scan3A_9 = scf.for %scan3A_11 = %scan3A_5 to %scan3A_7 step %scan3A_8 iter_args(%scan3A_12 = %scan3A) -> (i32)  : i32 {
      %mul3A_13 = arith.constant 2 : i32
      %mul3A_14 = arith.muli %mul3A_13, %scan3A_11 : i32
      %dma_start3A = arith.constant 0 : i32
      %dma_start3A_15 = tpu.memref_slice %arg5[%mul3A_14, %dma_start3A] : memref<32x128xi32, #tpu.memory_space<vmem>> -> memref<1x128xi32, #tpu.memory_space<vmem>>
      %dma_start3A_16 = tpu.memref_squeeze %dma_start3A_15 : memref<1x128xi32, #tpu.memory_space<vmem>> -> memref<128xi32, #tpu.memory_space<vmem>>
      %dma_start3A_17 = arith.constant 0 : i32
      %dma_start3A_18 = arith.constant 0 : i32
      %dma_start3A_19 = tpu.memref_slice %arg2[%dma_start3A_17, %dma_start3A_18] : memref<16384x128xf32, #tpu.memory_space<hbm>> -> memref<16384x128xf32, #tpu.memory_space<hbm>>
      tpu.enqueue_indirect_dma source(%dma_start3A_19 : memref<16384x128xf32, #tpu.memory_space<hbm>>) target(%arg6 : memref<128x128xf32, #tpu.memory_space<vmem>>) offsets(%dma_start3A_16 : memref<128xi32, #tpu.memory_space<vmem>>) semaphore(%arg8 : memref<!tpu.dma_semaphore, #tpu.memory_space<semaphore_mem>>)
      %mul3A_20 = arith.constant 2 : i32
      %mul3A_21 = arith.muli %mul3A_20, %scan3A_11 : i32
      %add3A_22 = arith.constant 1 : i32
      %add3A_23 = arith.addi %mul3A_21, %add3A_22 : i32
      %dma_start3A_24 = arith.constant 0 : i32
      %dma_start3A_25 = tpu.memref_slice %arg5[%add3A_23, %dma_start3A_24] : memref<32x128xi32, #tpu.memory_space<vmem>> -> memref<1x128xi32, #tpu.memory_space<vmem>>
      %dma_start3A_26 = tpu.memref_squeeze %dma_start3A_25 : memref<1x128xi32, #tpu.memory_space<vmem>> -> memref<128xi32, #tpu.memory_space<vmem>>
      %dma_start3A_27 = arith.constant 0 : i32
      %dma_start3A_28 = arith.constant 0 : i32
      %dma_start3A_29 = tpu.memref_slice %arg2[%dma_start3A_27, %dma_start3A_28] : memref<16384x128xf32, #tpu.memory_space<hbm>> -> memref<16384x128xf32, #tpu.memory_space<hbm>>
      tpu.enqueue_indirect_dma source(%dma_start3A_29 : memref<16384x128xf32, #tpu.memory_space<hbm>>) target(%arg7 : memref<128x128xf32, #tpu.memory_space<vmem>>) offsets(%dma_start3A_26 : memref<128xi32, #tpu.memory_space<vmem>>) semaphore(%arg9 : memref<!tpu.dma_semaphore, #tpu.memory_space<semaphore_mem>>)
      %dma_wait3A = arith.constant 0 : i32
      %dma_wait3A_30 = tpu.memref_slice %arg5[%mul3A_14, %dma_wait3A] : memref<32x128xi32, #tpu.memory_space<vmem>> -> memref<1x128xi32, #tpu.memory_space<vmem>>
      %dma_wait3A_31 = tpu.memref_squeeze %dma_wait3A_30 : memref<1x128xi32, #tpu.memory_space<vmem>> -> memref<128xi32, #tpu.memory_space<vmem>>
      %dma_wait3A_32 = arith.constant 0 : i32
      %dma_wait3A_33 = arith.constant 0 : i32
      %dma_wait3A_34 = tpu.memref_slice %arg2[%dma_wait3A_32, %dma_wait3A_33] : memref<16384x128xf32, #tpu.memory_space<hbm>> -> memref<16384x128xf32, #tpu.memory_space<hbm>>
      tpu.wait_indirect_dma semaphore(%arg8 : memref<!tpu.dma_semaphore, #tpu.memory_space<semaphore_mem>>) src(%dma_wait3A_34 : memref<16384x128xf32, #tpu.memory_space<hbm>>) dst(%arg6 : memref<128x128xf32, #tpu.memory_space<vmem>>)
      %mul3A_35 = arith.constant 2 : i32
      %mul3A_36 = arith.muli %mul3A_35, %scan3A_11 : i32
      %mul3A_37 = arith.constant 128 : i32
      %mul3A_38 = arith.muli %mul3A_36, %mul3A_37 : i32
      %add3A_39 = arith.addi %mul3A_2, %mul3A_38 : i32
      "tpu.region"() ({
        %run_scoped3A = tpu.sem_alloc : memref<!tpu.dma_semaphore, #tpu.memory_space<semaphore_mem>>
        %dma_start3A_54 = arith.constant 0 : i32
        %dma_start3A_55 = tpu.memref_slice %arg4[%add3A_39, %dma_start3A_54] : memref<131072x128xf32, #tpu.memory_space<hbm>> -> memref<128x128xf32, #tpu.memory_space<hbm>>
        %dma_start3A_56 = arith.constant 0 : i32
        %dma_start3A_57 = tpu.memref_slice %arg4[%add3A_39, %dma_start3A_56] : memref<131072x128xf32, #tpu.memory_space<hbm>> -> memref<128x128xf32, #tpu.memory_space<hbm>>
        tpu.enqueue_dma source(%arg6 : memref<128x128xf32, #tpu.memory_space<vmem>>) target(%dma_start3A_57 : memref<128x128xf32, #tpu.memory_space<hbm>>) target_semaphore(%run_scoped3A : memref<!tpu.dma_semaphore, #tpu.memory_space<semaphore_mem>>)
        %dma_wait3A_58 = arith.constant 0 : i32
        %dma_wait3A_59 = tpu.memref_slice %arg4[%add3A_39, %dma_wait3A_58] : memref<131072x128xf32, #tpu.memory_space<hbm>> -> memref<128x128xf32, #tpu.memory_space<hbm>>
        %dma_wait3A_60 = arith.constant 0 : i32
        %dma_wait3A_61 = tpu.memref_slice %arg4[%add3A_39, %dma_wait3A_60] : memref<131072x128xf32, #tpu.memory_space<hbm>> -> memref<128x128xf32, #tpu.memory_space<hbm>>
        tpu.wait_dma2 semaphore(%run_scoped3A : memref<!tpu.dma_semaphore, #tpu.memory_space<semaphore_mem>>) src(%arg6 : memref<128x128xf32, #tpu.memory_space<vmem>>) dst(%dma_wait3A_61 : memref<128x128xf32, #tpu.memory_space<hbm>>)
        tpu.yield
      }) : () -> ()
      %dma_wait3A_40 = arith.constant 0 : i32
      %dma_wait3A_41 = tpu.memref_slice %arg5[%add3A_23, %dma_wait3A_40] : memref<32x128xi32, #tpu.memory_space<vmem>> -> memref<1x128xi32, #tpu.memory_space<vmem>>
      %dma_wait3A_42 = tpu.memref_squeeze %dma_wait3A_41 : memref<1x128xi32, #tpu.memory_space<vmem>> -> memref<128xi32, #tpu.memory_space<vmem>>
      %dma_wait3A_43 = arith.constant 0 : i32
      %dma_wait3A_44 = arith.constant 0 : i32
      %dma_wait3A_45 = tpu.memref_slice %arg2[%dma_wait3A_43, %dma_wait3A_44] : memref<16384x128xf32, #tpu.memory_space<hbm>> -> memref<16384x128xf32, #tpu.memory_space<hbm>>
      tpu.wait_indirect_dma semaphore(%arg9 : memref<!tpu.dma_semaphore, #tpu.memory_space<semaphore_mem>>) src(%dma_wait3A_45 : memref<16384x128xf32, #tpu.memory_space<hbm>>) dst(%arg7 : memref<128x128xf32, #tpu.memory_space<vmem>>)
      %mul3A_46 = arith.constant 2 : i32
      %mul3A_47 = arith.muli %mul3A_46, %scan3A_11 : i32
      %add3A_48 = arith.constant 1 : i32
      %add3A_49 = arith.addi %mul3A_47, %add3A_48 : i32
      %mul3A_50 = arith.constant 128 : i32
      %mul3A_51 = arith.muli %add3A_49, %mul3A_50 : i32
      %add3A_52 = arith.addi %mul3A_2, %mul3A_51 : i32
      "tpu.region"() ({
        %run_scoped3A = tpu.sem_alloc : memref<!tpu.dma_semaphore, #tpu.memory_space<semaphore_mem>>
        %dma_start3A_54 = arith.constant 0 : i32
        %dma_start3A_55 = tpu.memref_slice %arg4[%add3A_52, %dma_start3A_54] : memref<131072x128xf32, #tpu.memory_space<hbm>> -> memref<128x128xf32, #tpu.memory_space<hbm>>
        %dma_start3A_56 = arith.constant 0 : i32
        %dma_start3A_57 = tpu.memref_slice %arg4[%add3A_52, %dma_start3A_56] : memref<131072x128xf32, #tpu.memory_space<hbm>> -> memref<128x128xf32, #tpu.memory_space<hbm>>
        tpu.enqueue_dma source(%arg7 : memref<128x128xf32, #tpu.memory_space<vmem>>) target(%dma_start3A_57 : memref<128x128xf32, #tpu.memory_space<hbm>>) target_semaphore(%run_scoped3A : memref<!tpu.dma_semaphore, #tpu.memory_space<semaphore_mem>>)
        %dma_wait3A_58 = arith.constant 0 : i32
        %dma_wait3A_59 = tpu.memref_slice %arg4[%add3A_52, %dma_wait3A_58] : memref<131072x128xf32, #tpu.memory_space<hbm>> -> memref<128x128xf32, #tpu.memory_space<hbm>>
        %dma_wait3A_60 = arith.constant 0 : i32
        %dma_wait3A_61 = tpu.memref_slice %arg4[%add3A_52, %dma_wait3A_60] : memref<131072x128xf32, #tpu.memory_space<hbm>> -> memref<128x128xf32, #tpu.memory_space<hbm>>
        tpu.wait_dma2 semaphore(%run_scoped3A : memref<!tpu.dma_semaphore, #tpu.memory_space<semaphore_mem>>) src(%arg7 : memref<128x128xf32, #tpu.memory_space<vmem>>) dst(%dma_wait3A_61 : memref<128x128xf32, #tpu.memory_space<hbm>>)
        tpu.yield
      }) : () -> ()
      %scan3A_53 = arith.constant 0 : i32
      scf.yield %scan3A_53 : i32
    }
    %scan3A_10 = arith.constant 16 : i32
    return
  }
}

module attributes {stable_mosaic.version = 14 : i64} {
  func.func @_topk_body(%arg0: i32, %arg1: i32, %arg2: memref<1x256x8xf32, #tpu.memory_space<vmem>>, %arg3: memref<1x8x2048xf32, #tpu.memory_space<vmem>>, %arg4: memref<1x256x32xi32, #tpu.memory_space<vmem>>) attributes {dimension_semantics = [#tpu.dimension_semantics<arbitrary>, #tpu.dimension_semantics<arbitrary>], iteration_bounds = array<i64: 8, 2>, scalar_prefetch = 0 : i64, scratch_operands = 0 : i64, tpu.core_type = #tpu.core_type<tc>, window_params = [{transform_indices = @transform_0, window_bounds = array<i64: 1, 256, 8>}, {transform_indices = @transform_1, window_bounds = array<i64: 1, 8, 2048>}, {transform_indices = @transform_2, window_bounds = array<i64: 1, 256, 32>}]} {
    %get3A = arith.constant 0 : index
    %get3A_0 = arith.constant 0 : index
    %get3A_1 = arith.constant 0 : index
    %get3A_2 = vector.load %arg2[%get3A, %get3A_0, %get3A_1] : memref<1x256x8xf32, #tpu.memory_space<vmem>>, vector<1x256x8xf32>
    %get3A_3 = vector.shape_cast %get3A_2 : vector<1x256x8xf32> to vector<256x8xf32>
    %get3A_4 = arith.constant 0 : index
    %get3A_5 = arith.constant 0 : index
    %get3A_6 = arith.constant 0 : index
    %get3A_7 = vector.load %arg3[%get3A_4, %get3A_5, %get3A_6] : memref<1x8x2048xf32, #tpu.memory_space<vmem>>, vector<1x8x2048xf32>
    %get3A_8 = vector.shape_cast %get3A_7 : vector<1x8x2048xf32> to vector<8x2048xf32>
    %dot_general3A = arith.constant dense<0.000000e+00> : vector<256x2048xf32>
    %dot_general3A_9 = tpu.matmul %get3A_3, %get3A_8, %dot_general3A {dimension_numbers = #tpu.dot_dimension_numbers<[1], [0], [0], [1], [0, 0, 1, 1], [], []>, transpose_lhs_hint = false} : vector<256x8xf32>, vector<8x2048xf32>, vector<256x2048xf32> -> vector<256x2048xf32>
    %slice3A = vector.extract_strided_slice %get3A_3 {offsets = [0, 0], sizes = [256, 1], strides = [1, 1]} : vector<256x8xf32> to vector<256x1xf32>
    %slice3A_10 = vector.extract_strided_slice %get3A_3 {offsets = [0, 1], sizes = [256, 1], strides = [1, 1]} : vector<256x8xf32> to vector<256x1xf32>
    %slice3A_11 = vector.extract_strided_slice %get3A_3 {offsets = [0, 2], sizes = [256, 1], strides = [1, 1]} : vector<256x8xf32> to vector<256x1xf32>
    %slice3A_12 = vector.extract_strided_slice %get3A_8 {offsets = [0, 0], sizes = [1, 2048], strides = [1, 1]} : vector<8x2048xf32> to vector<1x2048xf32>
    %slice3A_13 = vector.extract_strided_slice %get3A_8 {offsets = [1, 0], sizes = [1, 2048], strides = [1, 1]} : vector<8x2048xf32> to vector<1x2048xf32>
    %slice3A_14 = vector.extract_strided_slice %get3A_8 {offsets = [2, 0], sizes = [1, 2048], strides = [1, 1]} : vector<8x2048xf32> to vector<1x2048xf32>
    %mul3A = arith.mulf %slice3A, %slice3A : vector<256x1xf32>
    %mul3A_15 = arith.mulf %slice3A_10, %slice3A_10 : vector<256x1xf32>
    %add3A = arith.addf %mul3A, %mul3A_15 : vector<256x1xf32>
    %mul3A_16 = arith.mulf %slice3A_11, %slice3A_11 : vector<256x1xf32>
    %add3A_17 = arith.addf %add3A, %mul3A_16 : vector<256x1xf32>
    %mul3A_18 = arith.mulf %slice3A_12, %slice3A_12 : vector<1x2048xf32>
    %mul3A_19 = arith.mulf %slice3A_13, %slice3A_13 : vector<1x2048xf32>
    %add3A_20 = arith.addf %mul3A_18, %mul3A_19 : vector<1x2048xf32>
    %mul3A_21 = arith.mulf %slice3A_14, %slice3A_14 : vector<1x2048xf32>
    %add3A_22 = arith.addf %add3A_20, %mul3A_21 : vector<1x2048xf32>
    %mul3A_23 = arith.constant 2.000000e+00 : f32
    %mul3A_24 = vector.broadcast %mul3A_23 : f32 to vector<256x2048xf32>
    %mul3A_25 = arith.mulf %mul3A_24, %dot_general3A_9 : vector<256x2048xf32>
    %sub3A = vector.broadcast %add3A_17 : vector<256x1xf32> to vector<256x2048xf32>
    %sub3A_26 = arith.subf %sub3A, %mul3A_25 : vector<256x2048xf32>
    %add3A_27 = vector.broadcast %add3A_22 : vector<1x2048xf32> to vector<256x2048xf32>
    %add3A_28 = arith.addf %sub3A_26, %add3A_27 : vector<256x2048xf32>
    %iota3A = tpu.iota {dimensions = array<i32: 1>} : vector<256x2048xi32>
    %convert_element_type3A = arith.sitofp %iota3A : vector<256x2048xi32> to vector<256x2048xf32>
    %iota3A_29 = tpu.iota {dimensions = array<i32: 1>} : vector<256x32xi32>
    %convert_element_type3A_30 = arith.sitofp %iota3A_29 : vector<256x32xi32> to vector<256x32xf32>
    %broadcast_in_dim3A = arith.constant 0.000000e+00 : f32
    %broadcast_in_dim3A_31 = vector.broadcast %broadcast_in_dim3A : f32 to vector<256x32xf32>
    %reduce_min3A = arith.constant dense<0x7F800000> : vector<256xf32>
    %reduce_min3A_32 = vector.multi_reduction <minimumf>, %add3A_28, %reduce_min3A [1] : vector<256x2048xf32> to vector<256xf32>
    %broadcast_in_dim3A_33 = vector.shape_cast %reduce_min3A_32 : vector<256xf32> to vector<256x1xf32>
    %eq3A = vector.broadcast %broadcast_in_dim3A_33 : vector<256x1xf32> to vector<256x2048xf32>
    %eq3A_34 = arith.cmpf oeq, %add3A_28, %eq3A : vector<256x2048xf32>
    %jit3A = arith.constant 2.048000e+03 : f32
    %broadcast_in_dim3A_35 = vector.broadcast %jit3A : f32 to vector<256x2048xf32>
    %select_n3A = arith.select %eq3A_34, %convert_element_type3A, %broadcast_in_dim3A_35 : vector<256x2048xi1>, vector<256x2048xf32>
    %reduce_min3A_36 = arith.constant dense<0x7F800000> : vector<256xf32>
    %reduce_min3A_37 = vector.multi_reduction <minimumf>, %select_n3A, %reduce_min3A_36 [1] : vector<256x2048xf32> to vector<256xf32>
    %broadcast_in_dim3A_38 = vector.shape_cast %reduce_min3A_37 : vector<256xf32> to vector<256x1xf32>
    %eq3A_39 = arith.constant 0.000000e+00 : f32
    %eq3A_40 = vector.broadcast %eq3A_39 : f32 to vector<256x32xf32>
    %eq3A_41 = arith.cmpf oeq, %convert_element_type3A_30, %eq3A_40 : vector<256x32xf32>
    %broadcast_in_dim3A_42 = vector.shape_cast %broadcast_in_dim3A_38 : vector<256x1xf32> to vector<256x1xf32>
    %broadcast_in_dim3A_43 = vector.broadcast %broadcast_in_dim3A_42 : vector<256x1xf32> to vector<256x32xf32>
    %select_n3A_44 = arith.select %eq3A_41, %broadcast_in_dim3A_43, %broadcast_in_dim3A_31 : vector<256x32xi1>, vector<256x32xf32>
    %eq3A_45 = vector.broadcast %broadcast_in_dim3A_38 : vector<256x1xf32> to vector<256x2048xf32>
    %eq3A_46 = arith.cmpf oeq, %convert_element_type3A, %eq3A_45 : vector<256x2048xf32>
    %jit3A_47 = arith.constant 0x7F800000 : f32
    %broadcast_in_dim3A_48 = vector.broadcast %jit3A_47 : f32 to vector<256x2048xf32>
    %select_n3A_49 = arith.select %eq3A_46, %broadcast_in_dim3A_48, %add3A_28 : vector<256x2048xi1>, vector<256x2048xf32>
    %reduce_min3A_50 = arith.constant dense<0x7F800000> : vector<256xf32>
    %reduce_min3A_51 = vector.multi_reduction <minimumf>, %select_n3A_49, %reduce_min3A_50 [1] : vector<256x2048xf32> to vector<256xf32>
    %broadcast_in_dim3A_52 = vector.shape_cast %reduce_min3A_51 : vector<256xf32> to vector<256x1xf32>
    %eq3A_53 = vector.broadcast %broadcast_in_dim3A_52 : vector<256x1xf32> to vector<256x2048xf32>
    %eq3A_54 = arith.cmpf oeq, %select_n3A_49, %eq3A_53 : vector<256x2048xf32>
    %jit3A_55 = arith.constant 2.048000e+03 : f32
    %broadcast_in_dim3A_56 = vector.broadcast %jit3A_55 : f32 to vector<256x2048xf32>
    %select_n3A_57 = arith.select %eq3A_54, %convert_element_type3A, %broadcast_in_dim3A_56 : vector<256x2048xi1>, vector<256x2048xf32>
    %reduce_min3A_58 = arith.constant dense<0x7F800000> : vector<256xf32>
    %reduce_min3A_59 = vector.multi_reduction <minimumf>, %select_n3A_57, %reduce_min3A_58 [1] : vector<256x2048xf32> to vector<256xf32>
    %broadcast_in_dim3A_60 = vector.shape_cast %reduce_min3A_59 : vector<256xf32> to vector<256x1xf32>
    %eq3A_61 = arith.constant 1.000000e+00 : f32
    %eq3A_62 = vector.broadcast %eq3A_61 : f32 to vector<256x32xf32>
    %eq3A_63 = arith.cmpf oeq, %convert_element_type3A_30, %eq3A_62 : vector<256x32xf32>
    %broadcast_in_dim3A_64 = vector.shape_cast %broadcast_in_dim3A_60 : vector<256x1xf32> to vector<256x1xf32>
    %broadcast_in_dim3A_65 = vector.broadcast %broadcast_in_dim3A_64 : vector<256x1xf32> to vector<256x32xf32>
    %select_n3A_66 = arith.select %eq3A_63, %broadcast_in_dim3A_65, %select_n3A_44 : vector<256x32xi1>, vector<256x32xf32>
    %eq3A_67 = vector.broadcast %broadcast_in_dim3A_60 : vector<256x1xf32> to vector<256x2048xf32>
    %eq3A_68 = arith.cmpf oeq, %convert_element_type3A, %eq3A_67 : vector<256x2048xf32>
    %jit3A_69 = arith.constant 0x7F800000 : f32
    %broadcast_in_dim3A_70 = vector.broadcast %jit3A_69 : f32 to vector<256x2048xf32>
    %select_n3A_71 = arith.select %eq3A_68, %broadcast_in_dim3A_70, %select_n3A_49 : vector<256x2048xi1>, vector<256x2048xf32>
    %reduce_min3A_72 = arith.constant dense<0x7F800000> : vector<256xf32>
    %reduce_min3A_73 = vector.multi_reduction <minimumf>, %select_n3A_71, %reduce_min3A_72 [1] : vector<256x2048xf32> to vector<256xf32>
    %broadcast_in_dim3A_74 = vector.shape_cast %reduce_min3A_73 : vector<256xf32> to vector<256x1xf32>
    %eq3A_75 = vector.broadcast %broadcast_in_dim3A_74 : vector<256x1xf32> to vector<256x2048xf32>
    %eq3A_76 = arith.cmpf oeq, %select_n3A_71, %eq3A_75 : vector<256x2048xf32>
    %jit3A_77 = arith.constant 2.048000e+03 : f32
    %broadcast_in_dim3A_78 = vector.broadcast %jit3A_77 : f32 to vector<256x2048xf32>
    %select_n3A_79 = arith.select %eq3A_76, %convert_element_type3A, %broadcast_in_dim3A_78 : vector<256x2048xi1>, vector<256x2048xf32>
    %reduce_min3A_80 = arith.constant dense<0x7F800000> : vector<256xf32>
    %reduce_min3A_81 = vector.multi_reduction <minimumf>, %select_n3A_79, %reduce_min3A_80 [1] : vector<256x2048xf32> to vector<256xf32>
    %broadcast_in_dim3A_82 = vector.shape_cast %reduce_min3A_81 : vector<256xf32> to vector<256x1xf32>
    %eq3A_83 = arith.constant 2.000000e+00 : f32
    %eq3A_84 = vector.broadcast %eq3A_83 : f32 to vector<256x32xf32>
    %eq3A_85 = arith.cmpf oeq, %convert_element_type3A_30, %eq3A_84 : vector<256x32xf32>
    %broadcast_in_dim3A_86 = vector.shape_cast %broadcast_in_dim3A_82 : vector<256x1xf32> to vector<256x1xf32>
    %broadcast_in_dim3A_87 = vector.broadcast %broadcast_in_dim3A_86 : vector<256x1xf32> to vector<256x32xf32>
    %select_n3A_88 = arith.select %eq3A_85, %broadcast_in_dim3A_87, %select_n3A_66 : vector<256x32xi1>, vector<256x32xf32>
    %eq3A_89 = vector.broadcast %broadcast_in_dim3A_82 : vector<256x1xf32> to vector<256x2048xf32>
    %eq3A_90 = arith.cmpf oeq, %convert_element_type3A, %eq3A_89 : vector<256x2048xf32>
    %jit3A_91 = arith.constant 0x7F800000 : f32
    %broadcast_in_dim3A_92 = vector.broadcast %jit3A_91 : f32 to vector<256x2048xf32>
    %select_n3A_93 = arith.select %eq3A_90, %broadcast_in_dim3A_92, %select_n3A_71 : vector<256x2048xi1>, vector<256x2048xf32>
    %reduce_min3A_94 = arith.constant dense<0x7F800000> : vector<256xf32>
    %reduce_min3A_95 = vector.multi_reduction <minimumf>, %select_n3A_93, %reduce_min3A_94 [1] : vector<256x2048xf32> to vector<256xf32>
    %broadcast_in_dim3A_96 = vector.shape_cast %reduce_min3A_95 : vector<256xf32> to vector<256x1xf32>
    %eq3A_97 = vector.broadcast %broadcast_in_dim3A_96 : vector<256x1xf32> to vector<256x2048xf32>
    %eq3A_98 = arith.cmpf oeq, %select_n3A_93, %eq3A_97 : vector<256x2048xf32>
    %jit3A_99 = arith.constant 2.048000e+03 : f32
    %broadcast_in_dim3A_100 = vector.broadcast %jit3A_99 : f32 to vector<256x2048xf32>
    %select_n3A_101 = arith.select %eq3A_98, %convert_element_type3A, %broadcast_in_dim3A_100 : vector<256x2048xi1>, vector<256x2048xf32>
    %reduce_min3A_102 = arith.constant dense<0x7F800000> : vector<256xf32>
    %reduce_min3A_103 = vector.multi_reduction <minimumf>, %select_n3A_101, %reduce_min3A_102 [1] : vector<256x2048xf32> to vector<256xf32>
    %broadcast_in_dim3A_104 = vector.shape_cast %reduce_min3A_103 : vector<256xf32> to vector<256x1xf32>
    %eq3A_105 = arith.constant 3.000000e+00 : f32
    %eq3A_106 = vector.broadcast %eq3A_105 : f32 to vector<256x32xf32>
    %eq3A_107 = arith.cmpf oeq, %convert_element_type3A_30, %eq3A_106 : vector<256x32xf32>
    %broadcast_in_dim3A_108 = vector.shape_cast %broadcast_in_dim3A_104 : vector<256x1xf32> to vector<256x1xf32>
    %broadcast_in_dim3A_109 = vector.broadcast %broadcast_in_dim3A_108 : vector<256x1xf32> to vector<256x32xf32>
    %select_n3A_110 = arith.select %eq3A_107, %broadcast_in_dim3A_109, %select_n3A_88 : vector<256x32xi1>, vector<256x32xf32>
    %eq3A_111 = vector.broadcast %broadcast_in_dim3A_104 : vector<256x1xf32> to vector<256x2048xf32>
    %eq3A_112 = arith.cmpf oeq, %convert_element_type3A, %eq3A_111 : vector<256x2048xf32>
    %jit3A_113 = arith.constant 0x7F800000 : f32
    %broadcast_in_dim3A_114 = vector.broadcast %jit3A_113 : f32 to vector<256x2048xf32>
    %select_n3A_115 = arith.select %eq3A_112, %broadcast_in_dim3A_114, %select_n3A_93 : vector<256x2048xi1>, vector<256x2048xf32>
    %reduce_min3A_116 = arith.constant dense<0x7F800000> : vector<256xf32>
    %reduce_min3A_117 = vector.multi_reduction <minimumf>, %select_n3A_115, %reduce_min3A_116 [1] : vector<256x2048xf32> to vector<256xf32>
    %broadcast_in_dim3A_118 = vector.shape_cast %reduce_min3A_117 : vector<256xf32> to vector<256x1xf32>
    %eq3A_119 = vector.broadcast %broadcast_in_dim3A_118 : vector<256x1xf32> to vector<256x2048xf32>
    %eq3A_120 = arith.cmpf oeq, %select_n3A_115, %eq3A_119 : vector<256x2048xf32>
    %jit3A_121 = arith.constant 2.048000e+03 : f32
    %broadcast_in_dim3A_122 = vector.broadcast %jit3A_121 : f32 to vector<256x2048xf32>
    %select_n3A_123 = arith.select %eq3A_120, %convert_element_type3A, %broadcast_in_dim3A_122 : vector<256x2048xi1>, vector<256x2048xf32>
    %reduce_min3A_124 = arith.constant dense<0x7F800000> : vector<256xf32>
    %reduce_min3A_125 = vector.multi_reduction <minimumf>, %select_n3A_123, %reduce_min3A_124 [1] : vector<256x2048xf32> to vector<256xf32>
    %broadcast_in_dim3A_126 = vector.shape_cast %reduce_min3A_125 : vector<256xf32> to vector<256x1xf32>
    %eq3A_127 = arith.constant 4.000000e+00 : f32
    %eq3A_128 = vector.broadcast %eq3A_127 : f32 to vector<256x32xf32>
    %eq3A_129 = arith.cmpf oeq, %convert_element_type3A_30, %eq3A_128 : vector<256x32xf32>
    %broadcast_in_dim3A_130 = vector.shape_cast %broadcast_in_dim3A_126 : vector<256x1xf32> to vector<256x1xf32>
    %broadcast_in_dim3A_131 = vector.broadcast %broadcast_in_dim3A_130 : vector<256x1xf32> to vector<256x32xf32>
    %select_n3A_132 = arith.select %eq3A_129, %broadcast_in_dim3A_131, %select_n3A_110 : vector<256x32xi1>, vector<256x32xf32>
    %eq3A_133 = vector.broadcast %broadcast_in_dim3A_126 : vector<256x1xf32> to vector<256x2048xf32>
    %eq3A_134 = arith.cmpf oeq, %convert_element_type3A, %eq3A_133 : vector<256x2048xf32>
    %jit3A_135 = arith.constant 0x7F800000 : f32
    %broadcast_in_dim3A_136 = vector.broadcast %jit3A_135 : f32 to vector<256x2048xf32>
    %select_n3A_137 = arith.select %eq3A_134, %broadcast_in_dim3A_136, %select_n3A_115 : vector<256x2048xi1>, vector<256x2048xf32>
    %reduce_min3A_138 = arith.constant dense<0x7F800000> : vector<256xf32>
    %reduce_min3A_139 = vector.multi_reduction <minimumf>, %select_n3A_137, %reduce_min3A_138 [1] : vector<256x2048xf32> to vector<256xf32>
    %broadcast_in_dim3A_140 = vector.shape_cast %reduce_min3A_139 : vector<256xf32> to vector<256x1xf32>
    %eq3A_141 = vector.broadcast %broadcast_in_dim3A_140 : vector<256x1xf32> to vector<256x2048xf32>
    %eq3A_142 = arith.cmpf oeq, %select_n3A_137, %eq3A_141 : vector<256x2048xf32>
    %jit3A_143 = arith.constant 2.048000e+03 : f32
    %broadcast_in_dim3A_144 = vector.broadcast %jit3A_143 : f32 to vector<256x2048xf32>
    %select_n3A_145 = arith.select %eq3A_142, %convert_element_type3A, %broadcast_in_dim3A_144 : vector<256x2048xi1>, vector<256x2048xf32>
    %reduce_min3A_146 = arith.constant dense<0x7F800000> : vector<256xf32>
    %reduce_min3A_147 = vector.multi_reduction <minimumf>, %select_n3A_145, %reduce_min3A_146 [1] : vector<256x2048xf32> to vector<256xf32>
    %broadcast_in_dim3A_148 = vector.shape_cast %reduce_min3A_147 : vector<256xf32> to vector<256x1xf32>
    %eq3A_149 = arith.constant 5.000000e+00 : f32
    %eq3A_150 = vector.broadcast %eq3A_149 : f32 to vector<256x32xf32>
    %eq3A_151 = arith.cmpf oeq, %convert_element_type3A_30, %eq3A_150 : vector<256x32xf32>
    %broadcast_in_dim3A_152 = vector.shape_cast %broadcast_in_dim3A_148 : vector<256x1xf32> to vector<256x1xf32>
    %broadcast_in_dim3A_153 = vector.broadcast %broadcast_in_dim3A_152 : vector<256x1xf32> to vector<256x32xf32>
    %select_n3A_154 = arith.select %eq3A_151, %broadcast_in_dim3A_153, %select_n3A_132 : vector<256x32xi1>, vector<256x32xf32>
    %eq3A_155 = vector.broadcast %broadcast_in_dim3A_148 : vector<256x1xf32> to vector<256x2048xf32>
    %eq3A_156 = arith.cmpf oeq, %convert_element_type3A, %eq3A_155 : vector<256x2048xf32>
    %jit3A_157 = arith.constant 0x7F800000 : f32
    %broadcast_in_dim3A_158 = vector.broadcast %jit3A_157 : f32 to vector<256x2048xf32>
    %select_n3A_159 = arith.select %eq3A_156, %broadcast_in_dim3A_158, %select_n3A_137 : vector<256x2048xi1>, vector<256x2048xf32>
    %reduce_min3A_160 = arith.constant dense<0x7F800000> : vector<256xf32>
    %reduce_min3A_161 = vector.multi_reduction <minimumf>, %select_n3A_159, %reduce_min3A_160 [1] : vector<256x2048xf32> to vector<256xf32>
    %broadcast_in_dim3A_162 = vector.shape_cast %reduce_min3A_161 : vector<256xf32> to vector<256x1xf32>
    %eq3A_163 = vector.broadcast %broadcast_in_dim3A_162 : vector<256x1xf32> to vector<256x2048xf32>
    %eq3A_164 = arith.cmpf oeq, %select_n3A_159, %eq3A_163 : vector<256x2048xf32>
    %jit3A_165 = arith.constant 2.048000e+03 : f32
    %broadcast_in_dim3A_166 = vector.broadcast %jit3A_165 : f32 to vector<256x2048xf32>
    %select_n3A_167 = arith.select %eq3A_164, %convert_element_type3A, %broadcast_in_dim3A_166 : vector<256x2048xi1>, vector<256x2048xf32>
    %reduce_min3A_168 = arith.constant dense<0x7F800000> : vector<256xf32>
    %reduce_min3A_169 = vector.multi_reduction <minimumf>, %select_n3A_167, %reduce_min3A_168 [1] : vector<256x2048xf32> to vector<256xf32>
    %broadcast_in_dim3A_170 = vector.shape_cast %reduce_min3A_169 : vector<256xf32> to vector<256x1xf32>
    %eq3A_171 = arith.constant 6.000000e+00 : f32
    %eq3A_172 = vector.broadcast %eq3A_171 : f32 to vector<256x32xf32>
    %eq3A_173 = arith.cmpf oeq, %convert_element_type3A_30, %eq3A_172 : vector<256x32xf32>
    %broadcast_in_dim3A_174 = vector.shape_cast %broadcast_in_dim3A_170 : vector<256x1xf32> to vector<256x1xf32>
    %broadcast_in_dim3A_175 = vector.broadcast %broadcast_in_dim3A_174 : vector<256x1xf32> to vector<256x32xf32>
    %select_n3A_176 = arith.select %eq3A_173, %broadcast_in_dim3A_175, %select_n3A_154 : vector<256x32xi1>, vector<256x32xf32>
    %eq3A_177 = vector.broadcast %broadcast_in_dim3A_170 : vector<256x1xf32> to vector<256x2048xf32>
    %eq3A_178 = arith.cmpf oeq, %convert_element_type3A, %eq3A_177 : vector<256x2048xf32>
    %jit3A_179 = arith.constant 0x7F800000 : f32
    %broadcast_in_dim3A_180 = vector.broadcast %jit3A_179 : f32 to vector<256x2048xf32>
    %select_n3A_181 = arith.select %eq3A_178, %broadcast_in_dim3A_180, %select_n3A_159 : vector<256x2048xi1>, vector<256x2048xf32>
    %reduce_min3A_182 = arith.constant dense<0x7F800000> : vector<256xf32>
    %reduce_min3A_183 = vector.multi_reduction <minimumf>, %select_n3A_181, %reduce_min3A_182 [1] : vector<256x2048xf32> to vector<256xf32>
    %broadcast_in_dim3A_184 = vector.shape_cast %reduce_min3A_183 : vector<256xf32> to vector<256x1xf32>
    %eq3A_185 = vector.broadcast %broadcast_in_dim3A_184 : vector<256x1xf32> to vector<256x2048xf32>
    %eq3A_186 = arith.cmpf oeq, %select_n3A_181, %eq3A_185 : vector<256x2048xf32>
    %jit3A_187 = arith.constant 2.048000e+03 : f32
    %broadcast_in_dim3A_188 = vector.broadcast %jit3A_187 : f32 to vector<256x2048xf32>
    %select_n3A_189 = arith.select %eq3A_186, %convert_element_type3A, %broadcast_in_dim3A_188 : vector<256x2048xi1>, vector<256x2048xf32>
    %reduce_min3A_190 = arith.constant dense<0x7F800000> : vector<256xf32>
    %reduce_min3A_191 = vector.multi_reduction <minimumf>, %select_n3A_189, %reduce_min3A_190 [1] : vector<256x2048xf32> to vector<256xf32>
    %broadcast_in_dim3A_192 = vector.shape_cast %reduce_min3A_191 : vector<256xf32> to vector<256x1xf32>
    %eq3A_193 = arith.constant 7.000000e+00 : f32
    %eq3A_194 = vector.broadcast %eq3A_193 : f32 to vector<256x32xf32>
    %eq3A_195 = arith.cmpf oeq, %convert_element_type3A_30, %eq3A_194 : vector<256x32xf32>
    %broadcast_in_dim3A_196 = vector.shape_cast %broadcast_in_dim3A_192 : vector<256x1xf32> to vector<256x1xf32>
    %broadcast_in_dim3A_197 = vector.broadcast %broadcast_in_dim3A_196 : vector<256x1xf32> to vector<256x32xf32>
    %select_n3A_198 = arith.select %eq3A_195, %broadcast_in_dim3A_197, %select_n3A_176 : vector<256x32xi1>, vector<256x32xf32>
    %eq3A_199 = vector.broadcast %broadcast_in_dim3A_192 : vector<256x1xf32> to vector<256x2048xf32>
    %eq3A_200 = arith.cmpf oeq, %convert_element_type3A, %eq3A_199 : vector<256x2048xf32>
    %jit3A_201 = arith.constant 0x7F800000 : f32
    %broadcast_in_dim3A_202 = vector.broadcast %jit3A_201 : f32 to vector<256x2048xf32>
    %select_n3A_203 = arith.select %eq3A_200, %broadcast_in_dim3A_202, %select_n3A_181 : vector<256x2048xi1>, vector<256x2048xf32>
    %reduce_min3A_204 = arith.constant dense<0x7F800000> : vector<256xf32>
    %reduce_min3A_205 = vector.multi_reduction <minimumf>, %select_n3A_203, %reduce_min3A_204 [1] : vector<256x2048xf32> to vector<256xf32>
    %broadcast_in_dim3A_206 = vector.shape_cast %reduce_min3A_205 : vector<256xf32> to vector<256x1xf32>
    %eq3A_207 = vector.broadcast %broadcast_in_dim3A_206 : vector<256x1xf32> to vector<256x2048xf32>
    %eq3A_208 = arith.cmpf oeq, %select_n3A_203, %eq3A_207 : vector<256x2048xf32>
    %jit3A_209 = arith.constant 2.048000e+03 : f32
    %broadcast_in_dim3A_210 = vector.broadcast %jit3A_209 : f32 to vector<256x2048xf32>
    %select_n3A_211 = arith.select %eq3A_208, %convert_element_type3A, %broadcast_in_dim3A_210 : vector<256x2048xi1>, vector<256x2048xf32>
    %reduce_min3A_212 = arith.constant dense<0x7F800000> : vector<256xf32>
    %reduce_min3A_213 = vector.multi_reduction <minimumf>, %select_n3A_211, %reduce_min3A_212 [1] : vector<256x2048xf32> to vector<256xf32>
    %broadcast_in_dim3A_214 = vector.shape_cast %reduce_min3A_213 : vector<256xf32> to vector<256x1xf32>
    %eq3A_215 = arith.constant 8.000000e+00 : f32
    %eq3A_216 = vector.broadcast %eq3A_215 : f32 to vector<256x32xf32>
    %eq3A_217 = arith.cmpf oeq, %convert_element_type3A_30, %eq3A_216 : vector<256x32xf32>
    %broadcast_in_dim3A_218 = vector.shape_cast %broadcast_in_dim3A_214 : vector<256x1xf32> to vector<256x1xf32>
    %broadcast_in_dim3A_219 = vector.broadcast %broadcast_in_dim3A_218 : vector<256x1xf32> to vector<256x32xf32>
    %select_n3A_220 = arith.select %eq3A_217, %broadcast_in_dim3A_219, %select_n3A_198 : vector<256x32xi1>, vector<256x32xf32>
    %eq3A_221 = vector.broadcast %broadcast_in_dim3A_214 : vector<256x1xf32> to vector<256x2048xf32>
    %eq3A_222 = arith.cmpf oeq, %convert_element_type3A, %eq3A_221 : vector<256x2048xf32>
    %jit3A_223 = arith.constant 0x7F800000 : f32
    %broadcast_in_dim3A_224 = vector.broadcast %jit3A_223 : f32 to vector<256x2048xf32>
    %select_n3A_225 = arith.select %eq3A_222, %broadcast_in_dim3A_224, %select_n3A_203 : vector<256x2048xi1>, vector<256x2048xf32>
    %reduce_min3A_226 = arith.constant dense<0x7F800000> : vector<256xf32>
    %reduce_min3A_227 = vector.multi_reduction <minimumf>, %select_n3A_225, %reduce_min3A_226 [1] : vector<256x2048xf32> to vector<256xf32>
    %broadcast_in_dim3A_228 = vector.shape_cast %reduce_min3A_227 : vector<256xf32> to vector<256x1xf32>
    %eq3A_229 = vector.broadcast %broadcast_in_dim3A_228 : vector<256x1xf32> to vector<256x2048xf32>
    %eq3A_230 = arith.cmpf oeq, %select_n3A_225, %eq3A_229 : vector<256x2048xf32>
    %jit3A_231 = arith.constant 2.048000e+03 : f32
    %broadcast_in_dim3A_232 = vector.broadcast %jit3A_231 : f32 to vector<256x2048xf32>
    %select_n3A_233 = arith.select %eq3A_230, %convert_element_type3A, %broadcast_in_dim3A_232 : vector<256x2048xi1>, vector<256x2048xf32>
    %reduce_min3A_234 = arith.constant dense<0x7F800000> : vector<256xf32>
    %reduce_min3A_235 = vector.multi_reduction <minimumf>, %select_n3A_233, %reduce_min3A_234 [1] : vector<256x2048xf32> to vector<256xf32>
    %broadcast_in_dim3A_236 = vector.shape_cast %reduce_min3A_235 : vector<256xf32> to vector<256x1xf32>
    %eq3A_237 = arith.constant 9.000000e+00 : f32
    %eq3A_238 = vector.broadcast %eq3A_237 : f32 to vector<256x32xf32>
    %eq3A_239 = arith.cmpf oeq, %convert_element_type3A_30, %eq3A_238 : vector<256x32xf32>
    %broadcast_in_dim3A_240 = vector.shape_cast %broadcast_in_dim3A_236 : vector<256x1xf32> to vector<256x1xf32>
    %broadcast_in_dim3A_241 = vector.broadcast %broadcast_in_dim3A_240 : vector<256x1xf32> to vector<256x32xf32>
    %select_n3A_242 = arith.select %eq3A_239, %broadcast_in_dim3A_241, %select_n3A_220 : vector<256x32xi1>, vector<256x32xf32>
    %eq3A_243 = vector.broadcast %broadcast_in_dim3A_236 : vector<256x1xf32> to vector<256x2048xf32>
    %eq3A_244 = arith.cmpf oeq, %convert_element_type3A, %eq3A_243 : vector<256x2048xf32>
    %jit3A_245 = arith.constant 0x7F800000 : f32
    %broadcast_in_dim3A_246 = vector.broadcast %jit3A_245 : f32 to vector<256x2048xf32>
    %select_n3A_247 = arith.select %eq3A_244, %broadcast_in_dim3A_246, %select_n3A_225 : vector<256x2048xi1>, vector<256x2048xf32>
    %reduce_min3A_248 = arith.constant dense<0x7F800000> : vector<256xf32>
    %reduce_min3A_249 = vector.multi_reduction <minimumf>, %select_n3A_247, %reduce_min3A_248 [1] : vector<256x2048xf32> to vector<256xf32>
    %broadcast_in_dim3A_250 = vector.shape_cast %reduce_min3A_249 : vector<256xf32> to vector<256x1xf32>
    %eq3A_251 = vector.broadcast %broadcast_in_dim3A_250 : vector<256x1xf32> to vector<256x2048xf32>
    %eq3A_252 = arith.cmpf oeq, %select_n3A_247, %eq3A_251 : vector<256x2048xf32>
    %jit3A_253 = arith.constant 2.048000e+03 : f32
    %broadcast_in_dim3A_254 = vector.broadcast %jit3A_253 : f32 to vector<256x2048xf32>
    %select_n3A_255 = arith.select %eq3A_252, %convert_element_type3A, %broadcast_in_dim3A_254 : vector<256x2048xi1>, vector<256x2048xf32>
    %reduce_min3A_256 = arith.constant dense<0x7F800000> : vector<256xf32>
    %reduce_min3A_257 = vector.multi_reduction <minimumf>, %select_n3A_255, %reduce_min3A_256 [1] : vector<256x2048xf32> to vector<256xf32>
    %broadcast_in_dim3A_258 = vector.shape_cast %reduce_min3A_257 : vector<256xf32> to vector<256x1xf32>
    %eq3A_259 = arith.constant 1.000000e+01 : f32
    %eq3A_260 = vector.broadcast %eq3A_259 : f32 to vector<256x32xf32>
    %eq3A_261 = arith.cmpf oeq, %convert_element_type3A_30, %eq3A_260 : vector<256x32xf32>
    %broadcast_in_dim3A_262 = vector.shape_cast %broadcast_in_dim3A_258 : vector<256x1xf32> to vector<256x1xf32>
    %broadcast_in_dim3A_263 = vector.broadcast %broadcast_in_dim3A_262 : vector<256x1xf32> to vector<256x32xf32>
    %select_n3A_264 = arith.select %eq3A_261, %broadcast_in_dim3A_263, %select_n3A_242 : vector<256x32xi1>, vector<256x32xf32>
    %eq3A_265 = vector.broadcast %broadcast_in_dim3A_258 : vector<256x1xf32> to vector<256x2048xf32>
    %eq3A_266 = arith.cmpf oeq, %convert_element_type3A, %eq3A_265 : vector<256x2048xf32>
    %jit3A_267 = arith.constant 0x7F800000 : f32
    %broadcast_in_dim3A_268 = vector.broadcast %jit3A_267 : f32 to vector<256x2048xf32>
    %select_n3A_269 = arith.select %eq3A_266, %broadcast_in_dim3A_268, %select_n3A_247 : vector<256x2048xi1>, vector<256x2048xf32>
    %reduce_min3A_270 = arith.constant dense<0x7F800000> : vector<256xf32>
    %reduce_min3A_271 = vector.multi_reduction <minimumf>, %select_n3A_269, %reduce_min3A_270 [1] : vector<256x2048xf32> to vector<256xf32>
    %broadcast_in_dim3A_272 = vector.shape_cast %reduce_min3A_271 : vector<256xf32> to vector<256x1xf32>
    %eq3A_273 = vector.broadcast %broadcast_in_dim3A_272 : vector<256x1xf32> to vector<256x2048xf32>
    %eq3A_274 = arith.cmpf oeq, %select_n3A_269, %eq3A_273 : vector<256x2048xf32>
    %jit3A_275 = arith.constant 2.048000e+03 : f32
    %broadcast_in_dim3A_276 = vector.broadcast %jit3A_275 : f32 to vector<256x2048xf32>
    %select_n3A_277 = arith.select %eq3A_274, %convert_element_type3A, %broadcast_in_dim3A_276 : vector<256x2048xi1>, vector<256x2048xf32>
    %reduce_min3A_278 = arith.constant dense<0x7F800000> : vector<256xf32>
    %reduce_min3A_279 = vector.multi_reduction <minimumf>, %select_n3A_277, %reduce_min3A_278 [1] : vector<256x2048xf32> to vector<256xf32>
    %broadcast_in_dim3A_280 = vector.shape_cast %reduce_min3A_279 : vector<256xf32> to vector<256x1xf32>
    %eq3A_281 = arith.constant 1.100000e+01 : f32
    %eq3A_282 = vector.broadcast %eq3A_281 : f32 to vector<256x32xf32>
    %eq3A_283 = arith.cmpf oeq, %convert_element_type3A_30, %eq3A_282 : vector<256x32xf32>
    %broadcast_in_dim3A_284 = vector.shape_cast %broadcast_in_dim3A_280 : vector<256x1xf32> to vector<256x1xf32>
    %broadcast_in_dim3A_285 = vector.broadcast %broadcast_in_dim3A_284 : vector<256x1xf32> to vector<256x32xf32>
    %select_n3A_286 = arith.select %eq3A_283, %broadcast_in_dim3A_285, %select_n3A_264 : vector<256x32xi1>, vector<256x32xf32>
    %eq3A_287 = vector.broadcast %broadcast_in_dim3A_280 : vector<256x1xf32> to vector<256x2048xf32>
    %eq3A_288 = arith.cmpf oeq, %convert_element_type3A, %eq3A_287 : vector<256x2048xf32>
    %jit3A_289 = arith.constant 0x7F800000 : f32
    %broadcast_in_dim3A_290 = vector.broadcast %jit3A_289 : f32 to vector<256x2048xf32>
    %select_n3A_291 = arith.select %eq3A_288, %broadcast_in_dim3A_290, %select_n3A_269 : vector<256x2048xi1>, vector<256x2048xf32>
    %reduce_min3A_292 = arith.constant dense<0x7F800000> : vector<256xf32>
    %reduce_min3A_293 = vector.multi_reduction <minimumf>, %select_n3A_291, %reduce_min3A_292 [1] : vector<256x2048xf32> to vector<256xf32>
    %broadcast_in_dim3A_294 = vector.shape_cast %reduce_min3A_293 : vector<256xf32> to vector<256x1xf32>
    %eq3A_295 = vector.broadcast %broadcast_in_dim3A_294 : vector<256x1xf32> to vector<256x2048xf32>
    %eq3A_296 = arith.cmpf oeq, %select_n3A_291, %eq3A_295 : vector<256x2048xf32>
    %jit3A_297 = arith.constant 2.048000e+03 : f32
    %broadcast_in_dim3A_298 = vector.broadcast %jit3A_297 : f32 to vector<256x2048xf32>
    %select_n3A_299 = arith.select %eq3A_296, %convert_element_type3A, %broadcast_in_dim3A_298 : vector<256x2048xi1>, vector<256x2048xf32>
    %reduce_min3A_300 = arith.constant dense<0x7F800000> : vector<256xf32>
    %reduce_min3A_301 = vector.multi_reduction <minimumf>, %select_n3A_299, %reduce_min3A_300 [1] : vector<256x2048xf32> to vector<256xf32>
    %broadcast_in_dim3A_302 = vector.shape_cast %reduce_min3A_301 : vector<256xf32> to vector<256x1xf32>
    %eq3A_303 = arith.constant 1.200000e+01 : f32
    %eq3A_304 = vector.broadcast %eq3A_303 : f32 to vector<256x32xf32>
    %eq3A_305 = arith.cmpf oeq, %convert_element_type3A_30, %eq3A_304 : vector<256x32xf32>
    %broadcast_in_dim3A_306 = vector.shape_cast %broadcast_in_dim3A_302 : vector<256x1xf32> to vector<256x1xf32>
    %broadcast_in_dim3A_307 = vector.broadcast %broadcast_in_dim3A_306 : vector<256x1xf32> to vector<256x32xf32>
    %select_n3A_308 = arith.select %eq3A_305, %broadcast_in_dim3A_307, %select_n3A_286 : vector<256x32xi1>, vector<256x32xf32>
    %eq3A_309 = vector.broadcast %broadcast_in_dim3A_302 : vector<256x1xf32> to vector<256x2048xf32>
    %eq3A_310 = arith.cmpf oeq, %convert_element_type3A, %eq3A_309 : vector<256x2048xf32>
    %jit3A_311 = arith.constant 0x7F800000 : f32
    %broadcast_in_dim3A_312 = vector.broadcast %jit3A_311 : f32 to vector<256x2048xf32>
    %select_n3A_313 = arith.select %eq3A_310, %broadcast_in_dim3A_312, %select_n3A_291 : vector<256x2048xi1>, vector<256x2048xf32>
    %reduce_min3A_314 = arith.constant dense<0x7F800000> : vector<256xf32>
    %reduce_min3A_315 = vector.multi_reduction <minimumf>, %select_n3A_313, %reduce_min3A_314 [1] : vector<256x2048xf32> to vector<256xf32>
    %broadcast_in_dim3A_316 = vector.shape_cast %reduce_min3A_315 : vector<256xf32> to vector<256x1xf32>
    %eq3A_317 = vector.broadcast %broadcast_in_dim3A_316 : vector<256x1xf32> to vector<256x2048xf32>
    %eq3A_318 = arith.cmpf oeq, %select_n3A_313, %eq3A_317 : vector<256x2048xf32>
    %jit3A_319 = arith.constant 2.048000e+03 : f32
    %broadcast_in_dim3A_320 = vector.broadcast %jit3A_319 : f32 to vector<256x2048xf32>
    %select_n3A_321 = arith.select %eq3A_318, %convert_element_type3A, %broadcast_in_dim3A_320 : vector<256x2048xi1>, vector<256x2048xf32>
    %reduce_min3A_322 = arith.constant dense<0x7F800000> : vector<256xf32>
    %reduce_min3A_323 = vector.multi_reduction <minimumf>, %select_n3A_321, %reduce_min3A_322 [1] : vector<256x2048xf32> to vector<256xf32>
    %broadcast_in_dim3A_324 = vector.shape_cast %reduce_min3A_323 : vector<256xf32> to vector<256x1xf32>
    %eq3A_325 = arith.constant 1.300000e+01 : f32
    %eq3A_326 = vector.broadcast %eq3A_325 : f32 to vector<256x32xf32>
    %eq3A_327 = arith.cmpf oeq, %convert_element_type3A_30, %eq3A_326 : vector<256x32xf32>
    %broadcast_in_dim3A_328 = vector.shape_cast %broadcast_in_dim3A_324 : vector<256x1xf32> to vector<256x1xf32>
    %broadcast_in_dim3A_329 = vector.broadcast %broadcast_in_dim3A_328 : vector<256x1xf32> to vector<256x32xf32>
    %select_n3A_330 = arith.select %eq3A_327, %broadcast_in_dim3A_329, %select_n3A_308 : vector<256x32xi1>, vector<256x32xf32>
    %eq3A_331 = vector.broadcast %broadcast_in_dim3A_324 : vector<256x1xf32> to vector<256x2048xf32>
    %eq3A_332 = arith.cmpf oeq, %convert_element_type3A, %eq3A_331 : vector<256x2048xf32>
    %jit3A_333 = arith.constant 0x7F800000 : f32
    %broadcast_in_dim3A_334 = vector.broadcast %jit3A_333 : f32 to vector<256x2048xf32>
    %select_n3A_335 = arith.select %eq3A_332, %broadcast_in_dim3A_334, %select_n3A_313 : vector<256x2048xi1>, vector<256x2048xf32>
    %reduce_min3A_336 = arith.constant dense<0x7F800000> : vector<256xf32>
    %reduce_min3A_337 = vector.multi_reduction <minimumf>, %select_n3A_335, %reduce_min3A_336 [1] : vector<256x2048xf32> to vector<256xf32>
    %broadcast_in_dim3A_338 = vector.shape_cast %reduce_min3A_337 : vector<256xf32> to vector<256x1xf32>
    %eq3A_339 = vector.broadcast %broadcast_in_dim3A_338 : vector<256x1xf32> to vector<256x2048xf32>
    %eq3A_340 = arith.cmpf oeq, %select_n3A_335, %eq3A_339 : vector<256x2048xf32>
    %jit3A_341 = arith.constant 2.048000e+03 : f32
    %broadcast_in_dim3A_342 = vector.broadcast %jit3A_341 : f32 to vector<256x2048xf32>
    %select_n3A_343 = arith.select %eq3A_340, %convert_element_type3A, %broadcast_in_dim3A_342 : vector<256x2048xi1>, vector<256x2048xf32>
    %reduce_min3A_344 = arith.constant dense<0x7F800000> : vector<256xf32>
    %reduce_min3A_345 = vector.multi_reduction <minimumf>, %select_n3A_343, %reduce_min3A_344 [1] : vector<256x2048xf32> to vector<256xf32>
    %broadcast_in_dim3A_346 = vector.shape_cast %reduce_min3A_345 : vector<256xf32> to vector<256x1xf32>
    %eq3A_347 = arith.constant 1.400000e+01 : f32
    %eq3A_348 = vector.broadcast %eq3A_347 : f32 to vector<256x32xf32>
    %eq3A_349 = arith.cmpf oeq, %convert_element_type3A_30, %eq3A_348 : vector<256x32xf32>
    %broadcast_in_dim3A_350 = vector.shape_cast %broadcast_in_dim3A_346 : vector<256x1xf32> to vector<256x1xf32>
    %broadcast_in_dim3A_351 = vector.broadcast %broadcast_in_dim3A_350 : vector<256x1xf32> to vector<256x32xf32>
    %select_n3A_352 = arith.select %eq3A_349, %broadcast_in_dim3A_351, %select_n3A_330 : vector<256x32xi1>, vector<256x32xf32>
    %eq3A_353 = vector.broadcast %broadcast_in_dim3A_346 : vector<256x1xf32> to vector<256x2048xf32>
    %eq3A_354 = arith.cmpf oeq, %convert_element_type3A, %eq3A_353 : vector<256x2048xf32>
    %jit3A_355 = arith.constant 0x7F800000 : f32
    %broadcast_in_dim3A_356 = vector.broadcast %jit3A_355 : f32 to vector<256x2048xf32>
    %select_n3A_357 = arith.select %eq3A_354, %broadcast_in_dim3A_356, %select_n3A_335 : vector<256x2048xi1>, vector<256x2048xf32>
    %reduce_min3A_358 = arith.constant dense<0x7F800000> : vector<256xf32>
    %reduce_min3A_359 = vector.multi_reduction <minimumf>, %select_n3A_357, %reduce_min3A_358 [1] : vector<256x2048xf32> to vector<256xf32>
    %broadcast_in_dim3A_360 = vector.shape_cast %reduce_min3A_359 : vector<256xf32> to vector<256x1xf32>
    %eq3A_361 = vector.broadcast %broadcast_in_dim3A_360 : vector<256x1xf32> to vector<256x2048xf32>
    %eq3A_362 = arith.cmpf oeq, %select_n3A_357, %eq3A_361 : vector<256x2048xf32>
    %jit3A_363 = arith.constant 2.048000e+03 : f32
    %broadcast_in_dim3A_364 = vector.broadcast %jit3A_363 : f32 to vector<256x2048xf32>
    %select_n3A_365 = arith.select %eq3A_362, %convert_element_type3A, %broadcast_in_dim3A_364 : vector<256x2048xi1>, vector<256x2048xf32>
    %reduce_min3A_366 = arith.constant dense<0x7F800000> : vector<256xf32>
    %reduce_min3A_367 = vector.multi_reduction <minimumf>, %select_n3A_365, %reduce_min3A_366 [1] : vector<256x2048xf32> to vector<256xf32>
    %broadcast_in_dim3A_368 = vector.shape_cast %reduce_min3A_367 : vector<256xf32> to vector<256x1xf32>
    %eq3A_369 = arith.constant 1.500000e+01 : f32
    %eq3A_370 = vector.broadcast %eq3A_369 : f32 to vector<256x32xf32>
    %eq3A_371 = arith.cmpf oeq, %convert_element_type3A_30, %eq3A_370 : vector<256x32xf32>
    %broadcast_in_dim3A_372 = vector.shape_cast %broadcast_in_dim3A_368 : vector<256x1xf32> to vector<256x1xf32>
    %broadcast_in_dim3A_373 = vector.broadcast %broadcast_in_dim3A_372 : vector<256x1xf32> to vector<256x32xf32>
    %select_n3A_374 = arith.select %eq3A_371, %broadcast_in_dim3A_373, %select_n3A_352 : vector<256x32xi1>, vector<256x32xf32>
    %eq3A_375 = vector.broadcast %broadcast_in_dim3A_368 : vector<256x1xf32> to vector<256x2048xf32>
    %eq3A_376 = arith.cmpf oeq, %convert_element_type3A, %eq3A_375 : vector<256x2048xf32>
    %jit3A_377 = arith.constant 0x7F800000 : f32
    %broadcast_in_dim3A_378 = vector.broadcast %jit3A_377 : f32 to vector<256x2048xf32>
    %select_n3A_379 = arith.select %eq3A_376, %broadcast_in_dim3A_378, %select_n3A_357 : vector<256x2048xi1>, vector<256x2048xf32>
    %reduce_min3A_380 = arith.constant dense<0x7F800000> : vector<256xf32>
    %reduce_min3A_381 = vector.multi_reduction <minimumf>, %select_n3A_379, %reduce_min3A_380 [1] : vector<256x2048xf32> to vector<256xf32>
    %broadcast_in_dim3A_382 = vector.shape_cast %reduce_min3A_381 : vector<256xf32> to vector<256x1xf32>
    %eq3A_383 = vector.broadcast %broadcast_in_dim3A_382 : vector<256x1xf32> to vector<256x2048xf32>
    %eq3A_384 = arith.cmpf oeq, %select_n3A_379, %eq3A_383 : vector<256x2048xf32>
    %jit3A_385 = arith.constant 2.048000e+03 : f32
    %broadcast_in_dim3A_386 = vector.broadcast %jit3A_385 : f32 to vector<256x2048xf32>
    %select_n3A_387 = arith.select %eq3A_384, %convert_element_type3A, %broadcast_in_dim3A_386 : vector<256x2048xi1>, vector<256x2048xf32>
    %reduce_min3A_388 = arith.constant dense<0x7F800000> : vector<256xf32>
    %reduce_min3A_389 = vector.multi_reduction <minimumf>, %select_n3A_387, %reduce_min3A_388 [1] : vector<256x2048xf32> to vector<256xf32>
    %broadcast_in_dim3A_390 = vector.shape_cast %reduce_min3A_389 : vector<256xf32> to vector<256x1xf32>
    %eq3A_391 = arith.constant 1.600000e+01 : f32
    %eq3A_392 = vector.broadcast %eq3A_391 : f32 to vector<256x32xf32>
    %eq3A_393 = arith.cmpf oeq, %convert_element_type3A_30, %eq3A_392 : vector<256x32xf32>
    %broadcast_in_dim3A_394 = vector.shape_cast %broadcast_in_dim3A_390 : vector<256x1xf32> to vector<256x1xf32>
    %broadcast_in_dim3A_395 = vector.broadcast %broadcast_in_dim3A_394 : vector<256x1xf32> to vector<256x32xf32>
    %select_n3A_396 = arith.select %eq3A_393, %broadcast_in_dim3A_395, %select_n3A_374 : vector<256x32xi1>, vector<256x32xf32>
    %eq3A_397 = vector.broadcast %broadcast_in_dim3A_390 : vector<256x1xf32> to vector<256x2048xf32>
    %eq3A_398 = arith.cmpf oeq, %convert_element_type3A, %eq3A_397 : vector<256x2048xf32>
    %jit3A_399 = arith.constant 0x7F800000 : f32
    %broadcast_in_dim3A_400 = vector.broadcast %jit3A_399 : f32 to vector<256x2048xf32>
    %select_n3A_401 = arith.select %eq3A_398, %broadcast_in_dim3A_400, %select_n3A_379 : vector<256x2048xi1>, vector<256x2048xf32>
    %reduce_min3A_402 = arith.constant dense<0x7F800000> : vector<256xf32>
    %reduce_min3A_403 = vector.multi_reduction <minimumf>, %select_n3A_401, %reduce_min3A_402 [1] : vector<256x2048xf32> to vector<256xf32>
    %broadcast_in_dim3A_404 = vector.shape_cast %reduce_min3A_403 : vector<256xf32> to vector<256x1xf32>
    %eq3A_405 = vector.broadcast %broadcast_in_dim3A_404 : vector<256x1xf32> to vector<256x2048xf32>
    %eq3A_406 = arith.cmpf oeq, %select_n3A_401, %eq3A_405 : vector<256x2048xf32>
    %jit3A_407 = arith.constant 2.048000e+03 : f32
    %broadcast_in_dim3A_408 = vector.broadcast %jit3A_407 : f32 to vector<256x2048xf32>
    %select_n3A_409 = arith.select %eq3A_406, %convert_element_type3A, %broadcast_in_dim3A_408 : vector<256x2048xi1>, vector<256x2048xf32>
    %reduce_min3A_410 = arith.constant dense<0x7F800000> : vector<256xf32>
    %reduce_min3A_411 = vector.multi_reduction <minimumf>, %select_n3A_409, %reduce_min3A_410 [1] : vector<256x2048xf32> to vector<256xf32>
    %broadcast_in_dim3A_412 = vector.shape_cast %reduce_min3A_411 : vector<256xf32> to vector<256x1xf32>
    %eq3A_413 = arith.constant 1.700000e+01 : f32
    %eq3A_414 = vector.broadcast %eq3A_413 : f32 to vector<256x32xf32>
    %eq3A_415 = arith.cmpf oeq, %convert_element_type3A_30, %eq3A_414 : vector<256x32xf32>
    %broadcast_in_dim3A_416 = vector.shape_cast %broadcast_in_dim3A_412 : vector<256x1xf32> to vector<256x1xf32>
    %broadcast_in_dim3A_417 = vector.broadcast %broadcast_in_dim3A_416 : vector<256x1xf32> to vector<256x32xf32>
    %select_n3A_418 = arith.select %eq3A_415, %broadcast_in_dim3A_417, %select_n3A_396 : vector<256x32xi1>, vector<256x32xf32>
    %eq3A_419 = vector.broadcast %broadcast_in_dim3A_412 : vector<256x1xf32> to vector<256x2048xf32>
    %eq3A_420 = arith.cmpf oeq, %convert_element_type3A, %eq3A_419 : vector<256x2048xf32>
    %jit3A_421 = arith.constant 0x7F800000 : f32
    %broadcast_in_dim3A_422 = vector.broadcast %jit3A_421 : f32 to vector<256x2048xf32>
    %select_n3A_423 = arith.select %eq3A_420, %broadcast_in_dim3A_422, %select_n3A_401 : vector<256x2048xi1>, vector<256x2048xf32>
    %reduce_min3A_424 = arith.constant dense<0x7F800000> : vector<256xf32>
    %reduce_min3A_425 = vector.multi_reduction <minimumf>, %select_n3A_423, %reduce_min3A_424 [1] : vector<256x2048xf32> to vector<256xf32>
    %broadcast_in_dim3A_426 = vector.shape_cast %reduce_min3A_425 : vector<256xf32> to vector<256x1xf32>
    %eq3A_427 = vector.broadcast %broadcast_in_dim3A_426 : vector<256x1xf32> to vector<256x2048xf32>
    %eq3A_428 = arith.cmpf oeq, %select_n3A_423, %eq3A_427 : vector<256x2048xf32>
    %jit3A_429 = arith.constant 2.048000e+03 : f32
    %broadcast_in_dim3A_430 = vector.broadcast %jit3A_429 : f32 to vector<256x2048xf32>
    %select_n3A_431 = arith.select %eq3A_428, %convert_element_type3A, %broadcast_in_dim3A_430 : vector<256x2048xi1>, vector<256x2048xf32>
    %reduce_min3A_432 = arith.constant dense<0x7F800000> : vector<256xf32>
    %reduce_min3A_433 = vector.multi_reduction <minimumf>, %select_n3A_431, %reduce_min3A_432 [1] : vector<256x2048xf32> to vector<256xf32>
    %broadcast_in_dim3A_434 = vector.shape_cast %reduce_min3A_433 : vector<256xf32> to vector<256x1xf32>
    %eq3A_435 = arith.constant 1.800000e+01 : f32
    %eq3A_436 = vector.broadcast %eq3A_435 : f32 to vector<256x32xf32>
    %eq3A_437 = arith.cmpf oeq, %convert_element_type3A_30, %eq3A_436 : vector<256x32xf32>
    %broadcast_in_dim3A_438 = vector.shape_cast %broadcast_in_dim3A_434 : vector<256x1xf32> to vector<256x1xf32>
    %broadcast_in_dim3A_439 = vector.broadcast %broadcast_in_dim3A_438 : vector<256x1xf32> to vector<256x32xf32>
    %select_n3A_440 = arith.select %eq3A_437, %broadcast_in_dim3A_439, %select_n3A_418 : vector<256x32xi1>, vector<256x32xf32>
    %eq3A_441 = vector.broadcast %broadcast_in_dim3A_434 : vector<256x1xf32> to vector<256x2048xf32>
    %eq3A_442 = arith.cmpf oeq, %convert_element_type3A, %eq3A_441 : vector<256x2048xf32>
    %jit3A_443 = arith.constant 0x7F800000 : f32
    %broadcast_in_dim3A_444 = vector.broadcast %jit3A_443 : f32 to vector<256x2048xf32>
    %select_n3A_445 = arith.select %eq3A_442, %broadcast_in_dim3A_444, %select_n3A_423 : vector<256x2048xi1>, vector<256x2048xf32>
    %reduce_min3A_446 = arith.constant dense<0x7F800000> : vector<256xf32>
    %reduce_min3A_447 = vector.multi_reduction <minimumf>, %select_n3A_445, %reduce_min3A_446 [1] : vector<256x2048xf32> to vector<256xf32>
    %broadcast_in_dim3A_448 = vector.shape_cast %reduce_min3A_447 : vector<256xf32> to vector<256x1xf32>
    %eq3A_449 = vector.broadcast %broadcast_in_dim3A_448 : vector<256x1xf32> to vector<256x2048xf32>
    %eq3A_450 = arith.cmpf oeq, %select_n3A_445, %eq3A_449 : vector<256x2048xf32>
    %jit3A_451 = arith.constant 2.048000e+03 : f32
    %broadcast_in_dim3A_452 = vector.broadcast %jit3A_451 : f32 to vector<256x2048xf32>
    %select_n3A_453 = arith.select %eq3A_450, %convert_element_type3A, %broadcast_in_dim3A_452 : vector<256x2048xi1>, vector<256x2048xf32>
    %reduce_min3A_454 = arith.constant dense<0x7F800000> : vector<256xf32>
    %reduce_min3A_455 = vector.multi_reduction <minimumf>, %select_n3A_453, %reduce_min3A_454 [1] : vector<256x2048xf32> to vector<256xf32>
    %broadcast_in_dim3A_456 = vector.shape_cast %reduce_min3A_455 : vector<256xf32> to vector<256x1xf32>
    %eq3A_457 = arith.constant 1.900000e+01 : f32
    %eq3A_458 = vector.broadcast %eq3A_457 : f32 to vector<256x32xf32>
    %eq3A_459 = arith.cmpf oeq, %convert_element_type3A_30, %eq3A_458 : vector<256x32xf32>
    %broadcast_in_dim3A_460 = vector.shape_cast %broadcast_in_dim3A_456 : vector<256x1xf32> to vector<256x1xf32>
    %broadcast_in_dim3A_461 = vector.broadcast %broadcast_in_dim3A_460 : vector<256x1xf32> to vector<256x32xf32>
    %select_n3A_462 = arith.select %eq3A_459, %broadcast_in_dim3A_461, %select_n3A_440 : vector<256x32xi1>, vector<256x32xf32>
    %eq3A_463 = vector.broadcast %broadcast_in_dim3A_456 : vector<256x1xf32> to vector<256x2048xf32>
    %eq3A_464 = arith.cmpf oeq, %convert_element_type3A, %eq3A_463 : vector<256x2048xf32>
    %jit3A_465 = arith.constant 0x7F800000 : f32
    %broadcast_in_dim3A_466 = vector.broadcast %jit3A_465 : f32 to vector<256x2048xf32>
    %select_n3A_467 = arith.select %eq3A_464, %broadcast_in_dim3A_466, %select_n3A_445 : vector<256x2048xi1>, vector<256x2048xf32>
    %reduce_min3A_468 = arith.constant dense<0x7F800000> : vector<256xf32>
    %reduce_min3A_469 = vector.multi_reduction <minimumf>, %select_n3A_467, %reduce_min3A_468 [1] : vector<256x2048xf32> to vector<256xf32>
    %broadcast_in_dim3A_470 = vector.shape_cast %reduce_min3A_469 : vector<256xf32> to vector<256x1xf32>
    %eq3A_471 = vector.broadcast %broadcast_in_dim3A_470 : vector<256x1xf32> to vector<256x2048xf32>
    %eq3A_472 = arith.cmpf oeq, %select_n3A_467, %eq3A_471 : vector<256x2048xf32>
    %jit3A_473 = arith.constant 2.048000e+03 : f32
    %broadcast_in_dim3A_474 = vector.broadcast %jit3A_473 : f32 to vector<256x2048xf32>
    %select_n3A_475 = arith.select %eq3A_472, %convert_element_type3A, %broadcast_in_dim3A_474 : vector<256x2048xi1>, vector<256x2048xf32>
    %reduce_min3A_476 = arith.constant dense<0x7F800000> : vector<256xf32>
    %reduce_min3A_477 = vector.multi_reduction <minimumf>, %select_n3A_475, %reduce_min3A_476 [1] : vector<256x2048xf32> to vector<256xf32>
    %broadcast_in_dim3A_478 = vector.shape_cast %reduce_min3A_477 : vector<256xf32> to vector<256x1xf32>
    %eq3A_479 = arith.constant 2.000000e+01 : f32
    %eq3A_480 = vector.broadcast %eq3A_479 : f32 to vector<256x32xf32>
    %eq3A_481 = arith.cmpf oeq, %convert_element_type3A_30, %eq3A_480 : vector<256x32xf32>
    %broadcast_in_dim3A_482 = vector.shape_cast %broadcast_in_dim3A_478 : vector<256x1xf32> to vector<256x1xf32>
    %broadcast_in_dim3A_483 = vector.broadcast %broadcast_in_dim3A_482 : vector<256x1xf32> to vector<256x32xf32>
    %select_n3A_484 = arith.select %eq3A_481, %broadcast_in_dim3A_483, %select_n3A_462 : vector<256x32xi1>, vector<256x32xf32>
    %eq3A_485 = vector.broadcast %broadcast_in_dim3A_478 : vector<256x1xf32> to vector<256x2048xf32>
    %eq3A_486 = arith.cmpf oeq, %convert_element_type3A, %eq3A_485 : vector<256x2048xf32>
    %jit3A_487 = arith.constant 0x7F800000 : f32
    %broadcast_in_dim3A_488 = vector.broadcast %jit3A_487 : f32 to vector<256x2048xf32>
    %select_n3A_489 = arith.select %eq3A_486, %broadcast_in_dim3A_488, %select_n3A_467 : vector<256x2048xi1>, vector<256x2048xf32>
    %reduce_min3A_490 = arith.constant dense<0x7F800000> : vector<256xf32>
    %reduce_min3A_491 = vector.multi_reduction <minimumf>, %select_n3A_489, %reduce_min3A_490 [1] : vector<256x2048xf32> to vector<256xf32>
    %broadcast_in_dim3A_492 = vector.shape_cast %reduce_min3A_491 : vector<256xf32> to vector<256x1xf32>
    %eq3A_493 = vector.broadcast %broadcast_in_dim3A_492 : vector<256x1xf32> to vector<256x2048xf32>
    %eq3A_494 = arith.cmpf oeq, %select_n3A_489, %eq3A_493 : vector<256x2048xf32>
    %jit3A_495 = arith.constant 2.048000e+03 : f32
    %broadcast_in_dim3A_496 = vector.broadcast %jit3A_495 : f32 to vector<256x2048xf32>
    %select_n3A_497 = arith.select %eq3A_494, %convert_element_type3A, %broadcast_in_dim3A_496 : vector<256x2048xi1>, vector<256x2048xf32>
    %reduce_min3A_498 = arith.constant dense<0x7F800000> : vector<256xf32>
    %reduce_min3A_499 = vector.multi_reduction <minimumf>, %select_n3A_497, %reduce_min3A_498 [1] : vector<256x2048xf32> to vector<256xf32>
    %broadcast_in_dim3A_500 = vector.shape_cast %reduce_min3A_499 : vector<256xf32> to vector<256x1xf32>
    %eq3A_501 = arith.constant 2.100000e+01 : f32
    %eq3A_502 = vector.broadcast %eq3A_501 : f32 to vector<256x32xf32>
    %eq3A_503 = arith.cmpf oeq, %convert_element_type3A_30, %eq3A_502 : vector<256x32xf32>
    %broadcast_in_dim3A_504 = vector.shape_cast %broadcast_in_dim3A_500 : vector<256x1xf32> to vector<256x1xf32>
    %broadcast_in_dim3A_505 = vector.broadcast %broadcast_in_dim3A_504 : vector<256x1xf32> to vector<256x32xf32>
    %select_n3A_506 = arith.select %eq3A_503, %broadcast_in_dim3A_505, %select_n3A_484 : vector<256x32xi1>, vector<256x32xf32>
    %eq3A_507 = vector.broadcast %broadcast_in_dim3A_500 : vector<256x1xf32> to vector<256x2048xf32>
    %eq3A_508 = arith.cmpf oeq, %convert_element_type3A, %eq3A_507 : vector<256x2048xf32>
    %jit3A_509 = arith.constant 0x7F800000 : f32
    %broadcast_in_dim3A_510 = vector.broadcast %jit3A_509 : f32 to vector<256x2048xf32>
    %select_n3A_511 = arith.select %eq3A_508, %broadcast_in_dim3A_510, %select_n3A_489 : vector<256x2048xi1>, vector<256x2048xf32>
    %reduce_min3A_512 = arith.constant dense<0x7F800000> : vector<256xf32>
    %reduce_min3A_513 = vector.multi_reduction <minimumf>, %select_n3A_511, %reduce_min3A_512 [1] : vector<256x2048xf32> to vector<256xf32>
    %broadcast_in_dim3A_514 = vector.shape_cast %reduce_min3A_513 : vector<256xf32> to vector<256x1xf32>
    %eq3A_515 = vector.broadcast %broadcast_in_dim3A_514 : vector<256x1xf32> to vector<256x2048xf32>
    %eq3A_516 = arith.cmpf oeq, %select_n3A_511, %eq3A_515 : vector<256x2048xf32>
    %jit3A_517 = arith.constant 2.048000e+03 : f32
    %broadcast_in_dim3A_518 = vector.broadcast %jit3A_517 : f32 to vector<256x2048xf32>
    %select_n3A_519 = arith.select %eq3A_516, %convert_element_type3A, %broadcast_in_dim3A_518 : vector<256x2048xi1>, vector<256x2048xf32>
    %reduce_min3A_520 = arith.constant dense<0x7F800000> : vector<256xf32>
    %reduce_min3A_521 = vector.multi_reduction <minimumf>, %select_n3A_519, %reduce_min3A_520 [1] : vector<256x2048xf32> to vector<256xf32>
    %broadcast_in_dim3A_522 = vector.shape_cast %reduce_min3A_521 : vector<256xf32> to vector<256x1xf32>
    %eq3A_523 = arith.constant 2.200000e+01 : f32
    %eq3A_524 = vector.broadcast %eq3A_523 : f32 to vector<256x32xf32>
    %eq3A_525 = arith.cmpf oeq, %convert_element_type3A_30, %eq3A_524 : vector<256x32xf32>
    %broadcast_in_dim3A_526 = vector.shape_cast %broadcast_in_dim3A_522 : vector<256x1xf32> to vector<256x1xf32>
    %broadcast_in_dim3A_527 = vector.broadcast %broadcast_in_dim3A_526 : vector<256x1xf32> to vector<256x32xf32>
    %select_n3A_528 = arith.select %eq3A_525, %broadcast_in_dim3A_527, %select_n3A_506 : vector<256x32xi1>, vector<256x32xf32>
    %eq3A_529 = vector.broadcast %broadcast_in_dim3A_522 : vector<256x1xf32> to vector<256x2048xf32>
    %eq3A_530 = arith.cmpf oeq, %convert_element_type3A, %eq3A_529 : vector<256x2048xf32>
    %jit3A_531 = arith.constant 0x7F800000 : f32
    %broadcast_in_dim3A_532 = vector.broadcast %jit3A_531 : f32 to vector<256x2048xf32>
    %select_n3A_533 = arith.select %eq3A_530, %broadcast_in_dim3A_532, %select_n3A_511 : vector<256x2048xi1>, vector<256x2048xf32>
    %reduce_min3A_534 = arith.constant dense<0x7F800000> : vector<256xf32>
    %reduce_min3A_535 = vector.multi_reduction <minimumf>, %select_n3A_533, %reduce_min3A_534 [1] : vector<256x2048xf32> to vector<256xf32>
    %broadcast_in_dim3A_536 = vector.shape_cast %reduce_min3A_535 : vector<256xf32> to vector<256x1xf32>
    %eq3A_537 = vector.broadcast %broadcast_in_dim3A_536 : vector<256x1xf32> to vector<256x2048xf32>
    %eq3A_538 = arith.cmpf oeq, %select_n3A_533, %eq3A_537 : vector<256x2048xf32>
    %jit3A_539 = arith.constant 2.048000e+03 : f32
    %broadcast_in_dim3A_540 = vector.broadcast %jit3A_539 : f32 to vector<256x2048xf32>
    %select_n3A_541 = arith.select %eq3A_538, %convert_element_type3A, %broadcast_in_dim3A_540 : vector<256x2048xi1>, vector<256x2048xf32>
    %reduce_min3A_542 = arith.constant dense<0x7F800000> : vector<256xf32>
    %reduce_min3A_543 = vector.multi_reduction <minimumf>, %select_n3A_541, %reduce_min3A_542 [1] : vector<256x2048xf32> to vector<256xf32>
    %broadcast_in_dim3A_544 = vector.shape_cast %reduce_min3A_543 : vector<256xf32> to vector<256x1xf32>
    %eq3A_545 = arith.constant 2.300000e+01 : f32
    %eq3A_546 = vector.broadcast %eq3A_545 : f32 to vector<256x32xf32>
    %eq3A_547 = arith.cmpf oeq, %convert_element_type3A_30, %eq3A_546 : vector<256x32xf32>
    %broadcast_in_dim3A_548 = vector.shape_cast %broadcast_in_dim3A_544 : vector<256x1xf32> to vector<256x1xf32>
    %broadcast_in_dim3A_549 = vector.broadcast %broadcast_in_dim3A_548 : vector<256x1xf32> to vector<256x32xf32>
    %select_n3A_550 = arith.select %eq3A_547, %broadcast_in_dim3A_549, %select_n3A_528 : vector<256x32xi1>, vector<256x32xf32>
    %eq3A_551 = vector.broadcast %broadcast_in_dim3A_544 : vector<256x1xf32> to vector<256x2048xf32>
    %eq3A_552 = arith.cmpf oeq, %convert_element_type3A, %eq3A_551 : vector<256x2048xf32>
    %jit3A_553 = arith.constant 0x7F800000 : f32
    %broadcast_in_dim3A_554 = vector.broadcast %jit3A_553 : f32 to vector<256x2048xf32>
    %select_n3A_555 = arith.select %eq3A_552, %broadcast_in_dim3A_554, %select_n3A_533 : vector<256x2048xi1>, vector<256x2048xf32>
    %reduce_min3A_556 = arith.constant dense<0x7F800000> : vector<256xf32>
    %reduce_min3A_557 = vector.multi_reduction <minimumf>, %select_n3A_555, %reduce_min3A_556 [1] : vector<256x2048xf32> to vector<256xf32>
    %broadcast_in_dim3A_558 = vector.shape_cast %reduce_min3A_557 : vector<256xf32> to vector<256x1xf32>
    %eq3A_559 = vector.broadcast %broadcast_in_dim3A_558 : vector<256x1xf32> to vector<256x2048xf32>
    %eq3A_560 = arith.cmpf oeq, %select_n3A_555, %eq3A_559 : vector<256x2048xf32>
    %jit3A_561 = arith.constant 2.048000e+03 : f32
    %broadcast_in_dim3A_562 = vector.broadcast %jit3A_561 : f32 to vector<256x2048xf32>
    %select_n3A_563 = arith.select %eq3A_560, %convert_element_type3A, %broadcast_in_dim3A_562 : vector<256x2048xi1>, vector<256x2048xf32>
    %reduce_min3A_564 = arith.constant dense<0x7F800000> : vector<256xf32>
    %reduce_min3A_565 = vector.multi_reduction <minimumf>, %select_n3A_563, %reduce_min3A_564 [1] : vector<256x2048xf32> to vector<256xf32>
    %broadcast_in_dim3A_566 = vector.shape_cast %reduce_min3A_565 : vector<256xf32> to vector<256x1xf32>
    %eq3A_567 = arith.constant 2.400000e+01 : f32
    %eq3A_568 = vector.broadcast %eq3A_567 : f32 to vector<256x32xf32>
    %eq3A_569 = arith.cmpf oeq, %convert_element_type3A_30, %eq3A_568 : vector<256x32xf32>
    %broadcast_in_dim3A_570 = vector.shape_cast %broadcast_in_dim3A_566 : vector<256x1xf32> to vector<256x1xf32>
    %broadcast_in_dim3A_571 = vector.broadcast %broadcast_in_dim3A_570 : vector<256x1xf32> to vector<256x32xf32>
    %select_n3A_572 = arith.select %eq3A_569, %broadcast_in_dim3A_571, %select_n3A_550 : vector<256x32xi1>, vector<256x32xf32>
    %eq3A_573 = vector.broadcast %broadcast_in_dim3A_566 : vector<256x1xf32> to vector<256x2048xf32>
    %eq3A_574 = arith.cmpf oeq, %convert_element_type3A, %eq3A_573 : vector<256x2048xf32>
    %jit3A_575 = arith.constant 0x7F800000 : f32
    %broadcast_in_dim3A_576 = vector.broadcast %jit3A_575 : f32 to vector<256x2048xf32>
    %select_n3A_577 = arith.select %eq3A_574, %broadcast_in_dim3A_576, %select_n3A_555 : vector<256x2048xi1>, vector<256x2048xf32>
    %reduce_min3A_578 = arith.constant dense<0x7F800000> : vector<256xf32>
    %reduce_min3A_579 = vector.multi_reduction <minimumf>, %select_n3A_577, %reduce_min3A_578 [1] : vector<256x2048xf32> to vector<256xf32>
    %broadcast_in_dim3A_580 = vector.shape_cast %reduce_min3A_579 : vector<256xf32> to vector<256x1xf32>
    %eq3A_581 = vector.broadcast %broadcast_in_dim3A_580 : vector<256x1xf32> to vector<256x2048xf32>
    %eq3A_582 = arith.cmpf oeq, %select_n3A_577, %eq3A_581 : vector<256x2048xf32>
    %jit3A_583 = arith.constant 2.048000e+03 : f32
    %broadcast_in_dim3A_584 = vector.broadcast %jit3A_583 : f32 to vector<256x2048xf32>
    %select_n3A_585 = arith.select %eq3A_582, %convert_element_type3A, %broadcast_in_dim3A_584 : vector<256x2048xi1>, vector<256x2048xf32>
    %reduce_min3A_586 = arith.constant dense<0x7F800000> : vector<256xf32>
    %reduce_min3A_587 = vector.multi_reduction <minimumf>, %select_n3A_585, %reduce_min3A_586 [1] : vector<256x2048xf32> to vector<256xf32>
    %broadcast_in_dim3A_588 = vector.shape_cast %reduce_min3A_587 : vector<256xf32> to vector<256x1xf32>
    %eq3A_589 = arith.constant 2.500000e+01 : f32
    %eq3A_590 = vector.broadcast %eq3A_589 : f32 to vector<256x32xf32>
    %eq3A_591 = arith.cmpf oeq, %convert_element_type3A_30, %eq3A_590 : vector<256x32xf32>
    %broadcast_in_dim3A_592 = vector.shape_cast %broadcast_in_dim3A_588 : vector<256x1xf32> to vector<256x1xf32>
    %broadcast_in_dim3A_593 = vector.broadcast %broadcast_in_dim3A_592 : vector<256x1xf32> to vector<256x32xf32>
    %select_n3A_594 = arith.select %eq3A_591, %broadcast_in_dim3A_593, %select_n3A_572 : vector<256x32xi1>, vector<256x32xf32>
    %eq3A_595 = vector.broadcast %broadcast_in_dim3A_588 : vector<256x1xf32> to vector<256x2048xf32>
    %eq3A_596 = arith.cmpf oeq, %convert_element_type3A, %eq3A_595 : vector<256x2048xf32>
    %jit3A_597 = arith.constant 0x7F800000 : f32
    %broadcast_in_dim3A_598 = vector.broadcast %jit3A_597 : f32 to vector<256x2048xf32>
    %select_n3A_599 = arith.select %eq3A_596, %broadcast_in_dim3A_598, %select_n3A_577 : vector<256x2048xi1>, vector<256x2048xf32>
    %reduce_min3A_600 = arith.constant dense<0x7F800000> : vector<256xf32>
    %reduce_min3A_601 = vector.multi_reduction <minimumf>, %select_n3A_599, %reduce_min3A_600 [1] : vector<256x2048xf32> to vector<256xf32>
    %broadcast_in_dim3A_602 = vector.shape_cast %reduce_min3A_601 : vector<256xf32> to vector<256x1xf32>
    %eq3A_603 = vector.broadcast %broadcast_in_dim3A_602 : vector<256x1xf32> to vector<256x2048xf32>
    %eq3A_604 = arith.cmpf oeq, %select_n3A_599, %eq3A_603 : vector<256x2048xf32>
    %jit3A_605 = arith.constant 2.048000e+03 : f32
    %broadcast_in_dim3A_606 = vector.broadcast %jit3A_605 : f32 to vector<256x2048xf32>
    %select_n3A_607 = arith.select %eq3A_604, %convert_element_type3A, %broadcast_in_dim3A_606 : vector<256x2048xi1>, vector<256x2048xf32>
    %reduce_min3A_608 = arith.constant dense<0x7F800000> : vector<256xf32>
    %reduce_min3A_609 = vector.multi_reduction <minimumf>, %select_n3A_607, %reduce_min3A_608 [1] : vector<256x2048xf32> to vector<256xf32>
    %broadcast_in_dim3A_610 = vector.shape_cast %reduce_min3A_609 : vector<256xf32> to vector<256x1xf32>
    %eq3A_611 = arith.constant 2.600000e+01 : f32
    %eq3A_612 = vector.broadcast %eq3A_611 : f32 to vector<256x32xf32>
    %eq3A_613 = arith.cmpf oeq, %convert_element_type3A_30, %eq3A_612 : vector<256x32xf32>
    %broadcast_in_dim3A_614 = vector.shape_cast %broadcast_in_dim3A_610 : vector<256x1xf32> to vector<256x1xf32>
    %broadcast_in_dim3A_615 = vector.broadcast %broadcast_in_dim3A_614 : vector<256x1xf32> to vector<256x32xf32>
    %select_n3A_616 = arith.select %eq3A_613, %broadcast_in_dim3A_615, %select_n3A_594 : vector<256x32xi1>, vector<256x32xf32>
    %eq3A_617 = vector.broadcast %broadcast_in_dim3A_610 : vector<256x1xf32> to vector<256x2048xf32>
    %eq3A_618 = arith.cmpf oeq, %convert_element_type3A, %eq3A_617 : vector<256x2048xf32>
    %jit3A_619 = arith.constant 0x7F800000 : f32
    %broadcast_in_dim3A_620 = vector.broadcast %jit3A_619 : f32 to vector<256x2048xf32>
    %select_n3A_621 = arith.select %eq3A_618, %broadcast_in_dim3A_620, %select_n3A_599 : vector<256x2048xi1>, vector<256x2048xf32>
    %reduce_min3A_622 = arith.constant dense<0x7F800000> : vector<256xf32>
    %reduce_min3A_623 = vector.multi_reduction <minimumf>, %select_n3A_621, %reduce_min3A_622 [1] : vector<256x2048xf32> to vector<256xf32>
    %broadcast_in_dim3A_624 = vector.shape_cast %reduce_min3A_623 : vector<256xf32> to vector<256x1xf32>
    %eq3A_625 = vector.broadcast %broadcast_in_dim3A_624 : vector<256x1xf32> to vector<256x2048xf32>
    %eq3A_626 = arith.cmpf oeq, %select_n3A_621, %eq3A_625 : vector<256x2048xf32>
    %jit3A_627 = arith.constant 2.048000e+03 : f32
    %broadcast_in_dim3A_628 = vector.broadcast %jit3A_627 : f32 to vector<256x2048xf32>
    %select_n3A_629 = arith.select %eq3A_626, %convert_element_type3A, %broadcast_in_dim3A_628 : vector<256x2048xi1>, vector<256x2048xf32>
    %reduce_min3A_630 = arith.constant dense<0x7F800000> : vector<256xf32>
    %reduce_min3A_631 = vector.multi_reduction <minimumf>, %select_n3A_629, %reduce_min3A_630 [1] : vector<256x2048xf32> to vector<256xf32>
    %broadcast_in_dim3A_632 = vector.shape_cast %reduce_min3A_631 : vector<256xf32> to vector<256x1xf32>
    %eq3A_633 = arith.constant 2.700000e+01 : f32
    %eq3A_634 = vector.broadcast %eq3A_633 : f32 to vector<256x32xf32>
    %eq3A_635 = arith.cmpf oeq, %convert_element_type3A_30, %eq3A_634 : vector<256x32xf32>
    %broadcast_in_dim3A_636 = vector.shape_cast %broadcast_in_dim3A_632 : vector<256x1xf32> to vector<256x1xf32>
    %broadcast_in_dim3A_637 = vector.broadcast %broadcast_in_dim3A_636 : vector<256x1xf32> to vector<256x32xf32>
    %select_n3A_638 = arith.select %eq3A_635, %broadcast_in_dim3A_637, %select_n3A_616 : vector<256x32xi1>, vector<256x32xf32>
    %eq3A_639 = vector.broadcast %broadcast_in_dim3A_632 : vector<256x1xf32> to vector<256x2048xf32>
    %eq3A_640 = arith.cmpf oeq, %convert_element_type3A, %eq3A_639 : vector<256x2048xf32>
    %jit3A_641 = arith.constant 0x7F800000 : f32
    %broadcast_in_dim3A_642 = vector.broadcast %jit3A_641 : f32 to vector<256x2048xf32>
    %select_n3A_643 = arith.select %eq3A_640, %broadcast_in_dim3A_642, %select_n3A_621 : vector<256x2048xi1>, vector<256x2048xf32>
    %reduce_min3A_644 = arith.constant dense<0x7F800000> : vector<256xf32>
    %reduce_min3A_645 = vector.multi_reduction <minimumf>, %select_n3A_643, %reduce_min3A_644 [1] : vector<256x2048xf32> to vector<256xf32>
    %broadcast_in_dim3A_646 = vector.shape_cast %reduce_min3A_645 : vector<256xf32> to vector<256x1xf32>
    %eq3A_647 = vector.broadcast %broadcast_in_dim3A_646 : vector<256x1xf32> to vector<256x2048xf32>
    %eq3A_648 = arith.cmpf oeq, %select_n3A_643, %eq3A_647 : vector<256x2048xf32>
    %jit3A_649 = arith.constant 2.048000e+03 : f32
    %broadcast_in_dim3A_650 = vector.broadcast %jit3A_649 : f32 to vector<256x2048xf32>
    %select_n3A_651 = arith.select %eq3A_648, %convert_element_type3A, %broadcast_in_dim3A_650 : vector<256x2048xi1>, vector<256x2048xf32>
    %reduce_min3A_652 = arith.constant dense<0x7F800000> : vector<256xf32>
    %reduce_min3A_653 = vector.multi_reduction <minimumf>, %select_n3A_651, %reduce_min3A_652 [1] : vector<256x2048xf32> to vector<256xf32>
    %broadcast_in_dim3A_654 = vector.shape_cast %reduce_min3A_653 : vector<256xf32> to vector<256x1xf32>
    %eq3A_655 = arith.constant 2.800000e+01 : f32
    %eq3A_656 = vector.broadcast %eq3A_655 : f32 to vector<256x32xf32>
    %eq3A_657 = arith.cmpf oeq, %convert_element_type3A_30, %eq3A_656 : vector<256x32xf32>
    %broadcast_in_dim3A_658 = vector.shape_cast %broadcast_in_dim3A_654 : vector<256x1xf32> to vector<256x1xf32>
    %broadcast_in_dim3A_659 = vector.broadcast %broadcast_in_dim3A_658 : vector<256x1xf32> to vector<256x32xf32>
    %select_n3A_660 = arith.select %eq3A_657, %broadcast_in_dim3A_659, %select_n3A_638 : vector<256x32xi1>, vector<256x32xf32>
    %eq3A_661 = vector.broadcast %broadcast_in_dim3A_654 : vector<256x1xf32> to vector<256x2048xf32>
    %eq3A_662 = arith.cmpf oeq, %convert_element_type3A, %eq3A_661 : vector<256x2048xf32>
    %jit3A_663 = arith.constant 0x7F800000 : f32
    %broadcast_in_dim3A_664 = vector.broadcast %jit3A_663 : f32 to vector<256x2048xf32>
    %select_n3A_665 = arith.select %eq3A_662, %broadcast_in_dim3A_664, %select_n3A_643 : vector<256x2048xi1>, vector<256x2048xf32>
    %reduce_min3A_666 = arith.constant dense<0x7F800000> : vector<256xf32>
    %reduce_min3A_667 = vector.multi_reduction <minimumf>, %select_n3A_665, %reduce_min3A_666 [1] : vector<256x2048xf32> to vector<256xf32>
    %broadcast_in_dim3A_668 = vector.shape_cast %reduce_min3A_667 : vector<256xf32> to vector<256x1xf32>
    %eq3A_669 = vector.broadcast %broadcast_in_dim3A_668 : vector<256x1xf32> to vector<256x2048xf32>
    %eq3A_670 = arith.cmpf oeq, %select_n3A_665, %eq3A_669 : vector<256x2048xf32>
    %jit3A_671 = arith.constant 2.048000e+03 : f32
    %broadcast_in_dim3A_672 = vector.broadcast %jit3A_671 : f32 to vector<256x2048xf32>
    %select_n3A_673 = arith.select %eq3A_670, %convert_element_type3A, %broadcast_in_dim3A_672 : vector<256x2048xi1>, vector<256x2048xf32>
    %reduce_min3A_674 = arith.constant dense<0x7F800000> : vector<256xf32>
    %reduce_min3A_675 = vector.multi_reduction <minimumf>, %select_n3A_673, %reduce_min3A_674 [1] : vector<256x2048xf32> to vector<256xf32>
    %broadcast_in_dim3A_676 = vector.shape_cast %reduce_min3A_675 : vector<256xf32> to vector<256x1xf32>
    %eq3A_677 = arith.constant 2.900000e+01 : f32
    %eq3A_678 = vector.broadcast %eq3A_677 : f32 to vector<256x32xf32>
    %eq3A_679 = arith.cmpf oeq, %convert_element_type3A_30, %eq3A_678 : vector<256x32xf32>
    %broadcast_in_dim3A_680 = vector.shape_cast %broadcast_in_dim3A_676 : vector<256x1xf32> to vector<256x1xf32>
    %broadcast_in_dim3A_681 = vector.broadcast %broadcast_in_dim3A_680 : vector<256x1xf32> to vector<256x32xf32>
    %select_n3A_682 = arith.select %eq3A_679, %broadcast_in_dim3A_681, %select_n3A_660 : vector<256x32xi1>, vector<256x32xf32>
    %eq3A_683 = vector.broadcast %broadcast_in_dim3A_676 : vector<256x1xf32> to vector<256x2048xf32>
    %eq3A_684 = arith.cmpf oeq, %convert_element_type3A, %eq3A_683 : vector<256x2048xf32>
    %jit3A_685 = arith.constant 0x7F800000 : f32
    %broadcast_in_dim3A_686 = vector.broadcast %jit3A_685 : f32 to vector<256x2048xf32>
    %select_n3A_687 = arith.select %eq3A_684, %broadcast_in_dim3A_686, %select_n3A_665 : vector<256x2048xi1>, vector<256x2048xf32>
    %reduce_min3A_688 = arith.constant dense<0x7F800000> : vector<256xf32>
    %reduce_min3A_689 = vector.multi_reduction <minimumf>, %select_n3A_687, %reduce_min3A_688 [1] : vector<256x2048xf32> to vector<256xf32>
    %broadcast_in_dim3A_690 = vector.shape_cast %reduce_min3A_689 : vector<256xf32> to vector<256x1xf32>
    %eq3A_691 = vector.broadcast %broadcast_in_dim3A_690 : vector<256x1xf32> to vector<256x2048xf32>
    %eq3A_692 = arith.cmpf oeq, %select_n3A_687, %eq3A_691 : vector<256x2048xf32>
    %jit3A_693 = arith.constant 2.048000e+03 : f32
    %broadcast_in_dim3A_694 = vector.broadcast %jit3A_693 : f32 to vector<256x2048xf32>
    %select_n3A_695 = arith.select %eq3A_692, %convert_element_type3A, %broadcast_in_dim3A_694 : vector<256x2048xi1>, vector<256x2048xf32>
    %reduce_min3A_696 = arith.constant dense<0x7F800000> : vector<256xf32>
    %reduce_min3A_697 = vector.multi_reduction <minimumf>, %select_n3A_695, %reduce_min3A_696 [1] : vector<256x2048xf32> to vector<256xf32>
    %broadcast_in_dim3A_698 = vector.shape_cast %reduce_min3A_697 : vector<256xf32> to vector<256x1xf32>
    %eq3A_699 = arith.constant 3.000000e+01 : f32
    %eq3A_700 = vector.broadcast %eq3A_699 : f32 to vector<256x32xf32>
    %eq3A_701 = arith.cmpf oeq, %convert_element_type3A_30, %eq3A_700 : vector<256x32xf32>
    %broadcast_in_dim3A_702 = vector.shape_cast %broadcast_in_dim3A_698 : vector<256x1xf32> to vector<256x1xf32>
    %broadcast_in_dim3A_703 = vector.broadcast %broadcast_in_dim3A_702 : vector<256x1xf32> to vector<256x32xf32>
    %select_n3A_704 = arith.select %eq3A_701, %broadcast_in_dim3A_703, %select_n3A_682 : vector<256x32xi1>, vector<256x32xf32>
    %eq3A_705 = vector.broadcast %broadcast_in_dim3A_698 : vector<256x1xf32> to vector<256x2048xf32>
    %eq3A_706 = arith.cmpf oeq, %convert_element_type3A, %eq3A_705 : vector<256x2048xf32>
    %jit3A_707 = arith.constant 0x7F800000 : f32
    %broadcast_in_dim3A_708 = vector.broadcast %jit3A_707 : f32 to vector<256x2048xf32>
    %select_n3A_709 = arith.select %eq3A_706, %broadcast_in_dim3A_708, %select_n3A_687 : vector<256x2048xi1>, vector<256x2048xf32>
    %reduce_min3A_710 = arith.constant dense<0x7F800000> : vector<256xf32>
    %reduce_min3A_711 = vector.multi_reduction <minimumf>, %select_n3A_709, %reduce_min3A_710 [1] : vector<256x2048xf32> to vector<256xf32>
    %broadcast_in_dim3A_712 = vector.shape_cast %reduce_min3A_711 : vector<256xf32> to vector<256x1xf32>
    %eq3A_713 = vector.broadcast %broadcast_in_dim3A_712 : vector<256x1xf32> to vector<256x2048xf32>
    %eq3A_714 = arith.cmpf oeq, %select_n3A_709, %eq3A_713 : vector<256x2048xf32>
    %jit3A_715 = arith.constant 2.048000e+03 : f32
    %broadcast_in_dim3A_716 = vector.broadcast %jit3A_715 : f32 to vector<256x2048xf32>
    %select_n3A_717 = arith.select %eq3A_714, %convert_element_type3A, %broadcast_in_dim3A_716 : vector<256x2048xi1>, vector<256x2048xf32>
    %reduce_min3A_718 = arith.constant dense<0x7F800000> : vector<256xf32>
    %reduce_min3A_719 = vector.multi_reduction <minimumf>, %select_n3A_717, %reduce_min3A_718 [1] : vector<256x2048xf32> to vector<256xf32>
    %broadcast_in_dim3A_720 = vector.shape_cast %reduce_min3A_719 : vector<256xf32> to vector<256x1xf32>
    %eq3A_721 = arith.constant 3.100000e+01 : f32
    %eq3A_722 = vector.broadcast %eq3A_721 : f32 to vector<256x32xf32>
    %eq3A_723 = arith.cmpf oeq, %convert_element_type3A_30, %eq3A_722 : vector<256x32xf32>
    %broadcast_in_dim3A_724 = vector.shape_cast %broadcast_in_dim3A_720 : vector<256x1xf32> to vector<256x1xf32>
    %broadcast_in_dim3A_725 = vector.broadcast %broadcast_in_dim3A_724 : vector<256x1xf32> to vector<256x32xf32>
    %select_n3A_726 = arith.select %eq3A_723, %broadcast_in_dim3A_725, %select_n3A_704 : vector<256x32xi1>, vector<256x32xf32>
    %convert_element_type3A_727 = arith.fptosi %select_n3A_726 : vector<256x32xf32> to vector<256x32xi32>
    %mul3A_728 = arith.constant 2048 : i32
    %mul3A_729 = arith.muli %arg0, %mul3A_728 : i32
    %add3A_730 = vector.broadcast %mul3A_729 : i32 to vector<256x32xi32>
    %add3A_731 = arith.addi %convert_element_type3A_727, %add3A_730 : vector<256x32xi32>
    %swap3A = arith.constant 0 : index
    %swap3A_732 = arith.constant 0 : index
    %swap3A_733 = arith.constant 0 : index
    %swap3A_734 = vector.load %arg4[%swap3A, %swap3A_732, %swap3A_733] : memref<1x256x32xi32, #tpu.memory_space<vmem>>, vector<1x256x32xi32>
    %swap3A_735 = vector.shape_cast %swap3A_734 : vector<1x256x32xi32> to vector<256x32xi32>
    %swap3A_736 = vector.shape_cast %add3A_731 : vector<256x32xi32> to vector<1x256x32xi32>
    tpu.vector_store %arg4[%swap3A, %swap3A_732, %swap3A_733], %swap3A_736 {strides = array<i32>} : memref<1x256x32xi32, #tpu.memory_space<vmem>>, vector<1x256x32xi32>,
    return
  }
  func.func @transform_0(%arg0: i32, %arg1: i32) -> (i32, i32, i32) {
    %c0_i32 = arith.constant 0 : i32
    %c0_i32_0 = arith.constant 0 : i32
    return %arg0, %arg1, %c0_i32 : i32, i32, i32
  }
  func.func @transform_1(%arg0: i32, %arg1: i32) -> (i32, i32, i32) {
    %c0_i32 = arith.constant 0 : i32
    %c0_i32_0 = arith.constant 0 : i32
    %c0_i32_1 = arith.constant 0 : i32
    return %arg0, %c0_i32, %c0_i32_0 : i32, i32, i32
  }
  func.func @transform_2(%arg0: i32, %arg1: i32) -> (i32, i32, i32) {
    %c0_i32 = arith.constant 0 : i32
    %c0_i32_0 = arith.constant 0 : i32
    return %arg0, %arg1, %c0_i32 : i32, i32, i32
  }
}

module attributes {stable_mosaic.version = 14 : i64} {
  func.func @_c1_body(%arg0: i32, %arg1: memref<1024x128xf32, #tpu.memory_space<vmem>>, %arg2: memref<32x128xf32, #tpu.memory_space<vmem>>, %arg3: memref<128x256xf32, #tpu.memory_space<vmem>>, %arg4: memref<128x256xf32, #tpu.memory_space<vmem>>, %arg5: memref<1024x256xbf16, #tpu.memory_space<vmem>>, %arg6: memref<8x256xf32, #tpu.memory_space<vmem>>) attributes {dimension_semantics = [#tpu.dimension_semantics<arbitrary>], iteration_bounds = array<i64: 128>, scalar_prefetch = 0 : i64, scratch_operands = 0 : i64, tpu.core_type = #tpu.core_type<tc>, window_params = [{transform_indices = @transform_0, window_bounds = array<i64: 1024, 128>}, {transform_indices = @transform_1, window_bounds = array<i64: 32, 128>}, {pipeline_mode = #tpu.pipeline_mode<synchronous>, transform_indices = @transform_2, window_bounds = array<i64: 128, 256>}, {pipeline_mode = #tpu.pipeline_mode<synchronous>, transform_indices = @transform_3, window_bounds = array<i64: 128, 256>}, {transform_indices = @transform_4, window_bounds = array<i64: 1024, 256>}, {pipeline_mode = #tpu.pipeline_mode<synchronous>, transform_indices = @transform_5, window_bounds = array<i64: 8, 256>}]} {
    %get3A = arith.constant 0 : index
    %get3A_0 = arith.constant 0 : index
    %get3A_1 = vector.load %arg1[%get3A, %get3A_0] : memref<1024x128xf32, #tpu.memory_space<vmem>>, vector<1024x128xf32>
    %convert_element_type3A = arith.truncf %get3A_1 : vector<1024x128xf32> to vector<1024x128xbf16>
    %get3A_2 = arith.constant 0 : index
    %get3A_3 = arith.constant 0 : index
    %get3A_4 = vector.load %arg3[%get3A_2, %get3A_3] : memref<128x256xf32, #tpu.memory_space<vmem>>, vector<128x256xf32>
    %convert_element_type3A_5 = arith.truncf %get3A_4 : vector<128x256xf32> to vector<128x256xbf16>
    %dot_general3A = arith.constant dense<0.000000e+00> : vector<1024x256xf32>
    %dot_general3A_6 = tpu.matmul %convert_element_type3A, %convert_element_type3A_5, %dot_general3A {dimension_numbers = #tpu.dot_dimension_numbers<[1], [0], [0], [1], [0, 0, 1, 1], [], []>, transpose_lhs_hint = false} : vector<1024x128xbf16>, vector<128x256xbf16>, vector<1024x256xf32> -> vector<1024x256xf32>
    %get3A_7 = arith.constant 0 : index
    %get3A_8 = arith.constant 0 : index
    %get3A_9 = vector.load %arg2[%get3A_7, %get3A_8] : memref<32x128xf32, #tpu.memory_space<vmem>>, vector<32x128xf32>
    %convert_element_type3A_10 = arith.truncf %get3A_9 : vector<32x128xf32> to vector<32x128xbf16>
    %get3A_11 = arith.constant 0 : index
    %get3A_12 = arith.constant 0 : index
    %get3A_13 = vector.load %arg4[%get3A_11, %get3A_12] : memref<128x256xf32, #tpu.memory_space<vmem>>, vector<128x256xf32>
    %convert_element_type3A_14 = arith.truncf %get3A_13 : vector<128x256xf32> to vector<128x256xbf16>
    %dot_general3A_15 = arith.constant dense<0.000000e+00> : vector<32x256xf32>
    %dot_general3A_16 = tpu.matmul %convert_element_type3A_10, %convert_element_type3A_14, %dot_general3A_15 {dimension_numbers = #tpu.dot_dimension_numbers<[1], [0], [0], [1], [0, 0, 1, 1], [], []>, transpose_lhs_hint = false} : vector<32x128xbf16>, vector<128x256xbf16>, vector<32x256xf32> -> vector<32x256xf32>
    %reshape3A = vector.shape_cast %dot_general3A_6 : vector<1024x256xf32> to vector<32x32x256xf32>
    %broadcast_in_dim3A = vector.shape_cast %dot_general3A_16 : vector<32x256xf32> to vector<32x1x256xf32>
    %add3A = vector.broadcast %broadcast_in_dim3A : vector<32x1x256xf32> to vector<32x32x256xf32>
    %add3A_17 = arith.addf %reshape3A, %add3A : vector<32x32x256xf32>
    %reshape3A_18 = vector.shape_cast %add3A_17 : vector<32x32x256xf32> to vector<1024x256xf32>
    %convert_element_type3A_19 = arith.truncf %reshape3A_18 : vector<1024x256xf32> to vector<1024x256xbf16>
    %swap3A = arith.constant 0 : index
    %swap3A_20 = arith.constant 0 : index
    %swap3A_21 = vector.load %arg5[%swap3A, %swap3A_20] : memref<1024x256xbf16, #tpu.memory_space<vmem>>, vector<1024x256xbf16>
    tpu.vector_store %arg5[%swap3A, %swap3A_20], %convert_element_type3A_19 {strides = array<i32>} : memref<1024x256xbf16, #tpu.memory_space<vmem>>, vector<1024x256xbf16>,
    %eq3A = arith.constant 0 : i32
    %eq3A_22 = arith.cmpi eq, %arg0, %eq3A : i32
    %convert_element_type3A_23 = arith.extui %eq3A_22 : i1 to i32
    %cond3A = arith.constant 0 : i32
    %cond3A_24 = arith.cmpi ne, %convert_element_type3A_23, %cond3A : i32
    scf.if %cond3A_24 {
      %broadcast_in_dim3A_44 = arith.constant 0.000000e+00 : f32
      %broadcast_in_dim3A_45 = vector.broadcast %broadcast_in_dim3A_44 : f32 to vector<8x256xf32>
      %swap3A_46 = arith.constant 0 : index
      %swap3A_47 = arith.constant 0 : index
      %swap3A_48 = vector.load %arg6[%swap3A_46, %swap3A_47] : memref<8x256xf32, #tpu.memory_space<vmem>>, vector<8x256xf32>
      tpu.vector_store %arg6[%swap3A_46, %swap3A_47], %broadcast_in_dim3A_45 {strides = array<i32>} : memref<8x256xf32, #tpu.memory_space<vmem>>, vector<8x256xf32>,
    } else {
    }
    %get3A_25 = arith.constant 0 : index
    %get3A_26 = arith.constant 0 : index
    %get3A_27 = vector.load %arg6[%get3A_25, %get3A_26] : memref<8x256xf32, #tpu.memory_space<vmem>>, vector<1x256xf32>
    %reduce_sum3A = arith.constant dense<0.000000e+00> : vector<256xf32>
    %reduce_sum3A_28 = vector.multi_reduction <add>, %reshape3A_18, %reduce_sum3A [0] : vector<1024x256xf32> to vector<256xf32>
    %broadcast_in_dim3A_29 = vector.shape_cast %reduce_sum3A_28 : vector<256xf32> to vector<1x256xf32>
    %add3A_30 = arith.addf %get3A_27, %broadcast_in_dim3A_29 : vector<1x256xf32>
    %swap3A_31 = arith.constant 0 : index
    %swap3A_32 = arith.constant 0 : index
    %swap3A_33 = vector.load %arg6[%swap3A_31, %swap3A_32] : memref<8x256xf32, #tpu.memory_space<vmem>>, vector<1x256xf32>
    tpu.vector_store %arg6[%swap3A_31, %swap3A_32], %add3A_30 {strides = array<i32>} : memref<8x256xf32, #tpu.memory_space<vmem>>, vector<1x256xf32>,
    %get3A_34 = arith.constant 1 : index
    %get3A_35 = arith.constant 0 : index
    %get3A_36 = vector.load %arg6[%get3A_34, %get3A_35] : memref<8x256xf32, #tpu.memory_space<vmem>>, vector<1x256xf32>
    %mul3A = arith.mulf %reshape3A_18, %reshape3A_18 : vector<1024x256xf32>
    %reduce_sum3A_37 = arith.constant dense<0.000000e+00> : vector<256xf32>
    %reduce_sum3A_38 = vector.multi_reduction <add>, %mul3A, %reduce_sum3A_37 [0] : vector<1024x256xf32> to vector<256xf32>
    %broadcast_in_dim3A_39 = vector.shape_cast %reduce_sum3A_38 : vector<256xf32> to vector<1x256xf32>
    %add3A_40 = arith.addf %get3A_36, %broadcast_in_dim3A_39 : vector<1x256xf32>
    %swap3A_41 = arith.constant 1 : index
    %swap3A_42 = arith.constant 0 : index
    %swap3A_43 = vector.load %arg6[%swap3A_41, %swap3A_42] : memref<8x256xf32, #tpu.memory_space<vmem>>, vector<1x256xf32>
    tpu.vector_store %arg6[%swap3A_41, %swap3A_42], %add3A_40 {strides = array<i32>} : memref<8x256xf32, #tpu.memory_space<vmem>>, vector<1x256xf32>,
    return
  }
  func.func @transform_0(%arg0: i32) -> (i32, i32) {
    %c0_i32 = arith.constant 0 : i32
    %c0_i32_0 = arith.constant 0 : i32
    return %arg0, %c0_i32 : i32, i32
  }
  func.func @transform_1(%arg0: i32) -> (i32, i32) {
    %c0_i32 = arith.constant 0 : i32
    %c0_i32_0 = arith.constant 0 : i32
    return %arg0, %c0_i32 : i32, i32
  }
  func.func @transform_2(%arg0: i32) -> (i32, i32) {
    %c0_i32 = arith.constant 0 : i32
    %c0_i32_0 = arith.constant 0 : i32
    %c0_i32_1 = arith.constant 0 : i32
    return %c0_i32, %c0_i32_0 : i32, i32
  }
  func.func @transform_3(%arg0: i32) -> (i32, i32) {
    %c0_i32 = arith.constant 0 : i32
    %c0_i32_0 = arith.constant 0 : i32
    %c0_i32_1 = arith.constant 0 : i32
    return %c0_i32, %c0_i32_0 : i32, i32
  }
  func.func @transform_4(%arg0: i32) -> (i32, i32) {
    %c0_i32 = arith.constant 0 : i32
    %c0_i32_0 = arith.constant 0 : i32
    return %arg0, %c0_i32 : i32, i32
  }
  func.func @transform_5(%arg0: i32) -> (i32, i32) {
    %c0_i32 = arith.constant 0 : i32
    %c0_i32_0 = arith.constant 0 : i32
    %c0_i32_1 = arith.constant 0 : i32
    return %c0_i32, %c0_i32_0 : i32, i32
  }
}

module attributes {stable_mosaic.version = 14 : i64} {
  func.func @_c2_body(%arg0: i32, %arg1: memref<1024x256xbf16, #tpu.memory_space<vmem>>, %arg2: memref<8x256xf32, #tpu.memory_space<vmem>>, %arg3: memref<256x256xf32, #tpu.memory_space<vmem>>, %arg4: memref<1x256xf32, #tpu.memory_space<vmem>>, %arg5: memref<1x256xf32, #tpu.memory_space<vmem>>, %arg6: memref<32x256xf32, #tpu.memory_space<vmem>>, %arg7: memref<8x256xf32, #tpu.memory_space<vmem>>) attributes {dimension_semantics = [#tpu.dimension_semantics<arbitrary>], iteration_bounds = array<i64: 128>, scalar_prefetch = 0 : i64, scratch_operands = 0 : i64, tpu.core_type = #tpu.core_type<tc>, window_params = [{transform_indices = @transform_0, window_bounds = array<i64: 1024, 256>}, {pipeline_mode = #tpu.pipeline_mode<synchronous>, transform_indices = @transform_1, window_bounds = array<i64: 8, 256>}, {pipeline_mode = #tpu.pipeline_mode<synchronous>, transform_indices = @transform_2, window_bounds = array<i64: 256, 256>}, {pipeline_mode = #tpu.pipeline_mode<synchronous>, transform_indices = @transform_3, window_bounds = array<i64: 1, 256>}, {pipeline_mode = #tpu.pipeline_mode<synchronous>, transform_indices = @transform_4, window_bounds = array<i64: 1, 256>}, {transform_indices = @transform_5, window_bounds = array<i64: 32, 256>}, {pipeline_mode = #tpu.pipeline_mode<synchronous>, transform_indices = @transform_6, window_bounds = array<i64: 8, 256>}]} {
    %get3A = arith.constant 0 : index
    %get3A_0 = arith.constant 0 : index
    %get3A_1 = vector.load %arg2[%get3A, %get3A_0] : memref<8x256xf32, #tpu.memory_space<vmem>>, vector<8x256xf32>
    %slice3A = vector.extract_strided_slice %get3A_1 {offsets = [0, 0], sizes = [1, 256], strides = [1, 1]} : vector<8x256xf32> to vector<1x256xf32>
    %mul3A = arith.constant 7.62939453E-6 : f32
    %mul3A_2 = vector.broadcast %mul3A : f32 to vector<1x256xf32>
    %mul3A_3 = arith.mulf %slice3A, %mul3A_2 : vector<1x256xf32>
    %slice3A_4 = vector.extract_strided_slice %get3A_1 {offsets = [1, 0], sizes = [1, 256], strides = [1, 1]} : vector<8x256xf32> to vector<1x256xf32>
    %mul3A_5 = arith.constant 7.62939453E-6 : f32
    %mul3A_6 = vector.broadcast %mul3A_5 : f32 to vector<1x256xf32>
    %mul3A_7 = arith.mulf %slice3A_4, %mul3A_6 : vector<1x256xf32>
    %mul3A_8 = arith.mulf %mul3A_3, %mul3A_3 : vector<1x256xf32>
    %sub3A = arith.subf %mul3A_7, %mul3A_8 : vector<1x256xf32>
    %add3A = arith.constant 9.99999974E-6 : f32
    %add3A_9 = vector.broadcast %add3A : f32 to vector<1x256xf32>
    %add3A_10 = arith.addf %sub3A, %add3A_9 : vector<1x256xf32>
    %sqrt3A = math.sqrt %add3A_10 : vector<1x256xf32>
    %div3A = arith.constant 1.000000e+00 : f32
    %div3A_11 = vector.broadcast %div3A : f32 to vector<1x256xf32>
    %div3A_12 = arith.divf %div3A_11, %sqrt3A : vector<1x256xf32>
    %get3A_13 = arith.constant 0 : index
    %get3A_14 = arith.constant 0 : index
    %get3A_15 = vector.load %arg4[%get3A_13, %get3A_14] : memref<1x256xf32, #tpu.memory_space<vmem>>, vector<1x256xf32>
    %mul3A_16 = arith.mulf %div3A_12, %get3A_15 : vector<1x256xf32>
    %get3A_17 = arith.constant 0 : index
    %get3A_18 = arith.constant 0 : index
    %get3A_19 = vector.load %arg5[%get3A_17, %get3A_18] : memref<1x256xf32, #tpu.memory_space<vmem>>, vector<1x256xf32>
    %mul3A_20 = arith.mulf %mul3A_3, %mul3A_16 : vector<1x256xf32>
    %sub3A_21 = arith.subf %get3A_19, %mul3A_20 : vector<1x256xf32>
    %get3A_22 = arith.constant 0 : index
    %get3A_23 = arith.constant 0 : index
    %get3A_24 = vector.load %arg1[%get3A_22, %get3A_23] : memref<1024x256xbf16, #tpu.memory_space<vmem>>, vector<1024x256xbf16>
    %convert_element_type3A = arith.extf %get3A_24 : vector<1024x256xbf16> to vector<1024x256xf32>
    %mul3A_25 = vector.broadcast %mul3A_16 : vector<1x256xf32> to vector<1024x256xf32>
    %mul3A_26 = arith.mulf %convert_element_type3A, %mul3A_25 : vector<1024x256xf32>
    %add3A_27 = vector.broadcast %sub3A_21 : vector<1x256xf32> to vector<1024x256xf32>
    %add3A_28 = arith.addf %mul3A_26, %add3A_27 : vector<1024x256xf32>
    %max3A = arith.constant 0.000000e+00 : f32
    %max3A_29 = vector.broadcast %max3A : f32 to vector<1024x256xf32>
    %max3A_30 = arith.maximumf %add3A_28, %max3A_29 : vector<1024x256xf32>
    %convert_element_type3A_31 = arith.truncf %max3A_30 : vector<1024x256xf32> to vector<1024x256xbf16>
    %get3A_32 = arith.constant 0 : index
    %get3A_33 = arith.constant 0 : index
    %get3A_34 = vector.load %arg3[%get3A_32, %get3A_33] : memref<256x256xf32, #tpu.memory_space<vmem>>, vector<256x256xf32>
    %convert_element_type3A_35 = arith.truncf %get3A_34 : vector<256x256xf32> to vector<256x256xbf16>
    %dot_general3A = arith.constant dense<0.000000e+00> : vector<1024x256xf32>
    %dot_general3A_36 = tpu.matmul %convert_element_type3A_31, %convert_element_type3A_35, %dot_general3A {dimension_numbers = #tpu.dot_dimension_numbers<[1], [0], [0], [1], [0, 0, 1, 1], [], []>, transpose_lhs_hint = false} : vector<1024x256xbf16>, vector<256x256xbf16>, vector<1024x256xf32> -> vector<1024x256xf32>
    %reshape3A = vector.shape_cast %dot_general3A_36 : vector<1024x256xf32> to vector<32x32x256xf32>
    %reduce_max3A = arith.constant dense<0xFF800000> : vector<32x256xf32>
    %reduce_max3A_37 = vector.multi_reduction <maximumf>, %reshape3A, %reduce_max3A [1] : vector<32x32x256xf32> to vector<32x256xf32>
    %swap3A = arith.constant 0 : index
    %swap3A_38 = arith.constant 0 : index
    %swap3A_39 = vector.load %arg6[%swap3A, %swap3A_38] : memref<32x256xf32, #tpu.memory_space<vmem>>, vector<32x256xf32>
    tpu.vector_store %arg6[%swap3A, %swap3A_38], %reduce_max3A_37 {strides = array<i32>} : memref<32x256xf32, #tpu.memory_space<vmem>>, vector<32x256xf32>,
    %eq3A = arith.constant 0 : i32
    %eq3A_40 = arith.cmpi eq, %arg0, %eq3A : i32
    %convert_element_type3A_41 = arith.extui %eq3A_40 : i1 to i32
    %cond3A = arith.constant 0 : i32
    %cond3A_42 = arith.cmpi ne, %convert_element_type3A_41, %cond3A : i32
    scf.if %cond3A_42 {
      %broadcast_in_dim3A_62 = arith.constant 0.000000e+00 : f32
      %broadcast_in_dim3A_63 = vector.broadcast %broadcast_in_dim3A_62 : f32 to vector<8x256xf32>
      %swap3A_64 = arith.constant 0 : index
      %swap3A_65 = arith.constant 0 : index
      %swap3A_66 = vector.load %arg7[%swap3A_64, %swap3A_65] : memref<8x256xf32, #tpu.memory_space<vmem>>, vector<8x256xf32>
      tpu.vector_store %arg7[%swap3A_64, %swap3A_65], %broadcast_in_dim3A_63 {strides = array<i32>} : memref<8x256xf32, #tpu.memory_space<vmem>>, vector<8x256xf32>,
    } else {
    }
    %get3A_43 = arith.constant 0 : index
    %get3A_44 = arith.constant 0 : index
    %get3A_45 = vector.load %arg7[%get3A_43, %get3A_44] : memref<8x256xf32, #tpu.memory_space<vmem>>, vector<1x256xf32>
    %reduce_sum3A = arith.constant dense<0.000000e+00> : vector<256xf32>
    %reduce_sum3A_46 = vector.multi_reduction <add>, %dot_general3A_36, %reduce_sum3A [0] : vector<1024x256xf32> to vector<256xf32>
    %broadcast_in_dim3A = vector.shape_cast %reduce_sum3A_46 : vector<256xf32> to vector<1x256xf32>
    %add3A_47 = arith.addf %get3A_45, %broadcast_in_dim3A : vector<1x256xf32>
    %swap3A_48 = arith.constant 0 : index
    %swap3A_49 = arith.constant 0 : index
    %swap3A_50 = vector.load %arg7[%swap3A_48, %swap3A_49] : memref<8x256xf32, #tpu.memory_space<vmem>>, vector<1x256xf32>
    tpu.vector_store %arg7[%swap3A_48, %swap3A_49], %add3A_47 {strides = array<i32>} : memref<8x256xf32, #tpu.memory_space<vmem>>, vector<1x256xf32>,
    %get3A_51 = arith.constant 1 : index
    %get3A_52 = arith.constant 0 : index
    %get3A_53 = vector.load %arg7[%get3A_51, %get3A_52] : memref<8x256xf32, #tpu.memory_space<vmem>>, vector<1x256xf32>
    %mul3A_54 = arith.mulf %dot_general3A_36, %dot_general3A_36 : vector<1024x256xf32>
    %reduce_sum3A_55 = arith.constant dense<0.000000e+00> : vector<256xf32>
    %reduce_sum3A_56 = vector.multi_reduction <add>, %mul3A_54, %reduce_sum3A_55 [0] : vector<1024x256xf32> to vector<256xf32>
    %broadcast_in_dim3A_57 = vector.shape_cast %reduce_sum3A_56 : vector<256xf32> to vector<1x256xf32>
    %add3A_58 = arith.addf %get3A_53, %broadcast_in_dim3A_57 : vector<1x256xf32>
    %swap3A_59 = arith.constant 1 : index
    %swap3A_60 = arith.constant 0 : index
    %swap3A_61 = vector.load %arg7[%swap3A_59, %swap3A_60] : memref<8x256xf32, #tpu.memory_space<vmem>>, vector<1x256xf32>
    tpu.vector_store %arg7[%swap3A_59, %swap3A_60], %add3A_58 {strides = array<i32>} : memref<8x256xf32, #tpu.memory_space<vmem>>, vector<1x256xf32>,
    return
  }
  func.func @transform_0(%arg0: i32) -> (i32, i32) {
    %c0_i32 = arith.constant 0 : i32
    %c0_i32_0 = arith.constant 0 : i32
    return %arg0, %c0_i32 : i32, i32
  }
  func.func @transform_1(%arg0: i32) -> (i32, i32) {
    %c0_i32 = arith.constant 0 : i32
    %c0_i32_0 = arith.constant 0 : i32
    %c0_i32_1 = arith.constant 0 : i32
    return %c0_i32, %c0_i32_0 : i32, i32
  }
  func.func @transform_2(%arg0: i32) -> (i32, i32) {
    %c0_i32 = arith.constant 0 : i32
    %c0_i32_0 = arith.constant 0 : i32
    %c0_i32_1 = arith.constant 0 : i32
    return %c0_i32, %c0_i32_0 : i32, i32
  }
  func.func @transform_3(%arg0: i32) -> (i32, i32) {
    %c0_i32 = arith.constant 0 : i32
    %c0_i32_0 = arith.constant 0 : i32
    %c0_i32_1 = arith.constant 0 : i32
    return %c0_i32, %c0_i32_0 : i32, i32
  }
  func.func @transform_4(%arg0: i32) -> (i32, i32) {
    %c0_i32 = arith.constant 0 : i32
    %c0_i32_0 = arith.constant 0 : i32
    %c0_i32_1 = arith.constant 0 : i32
    return %c0_i32, %c0_i32_0 : i32, i32
  }
  func.func @transform_5(%arg0: i32) -> (i32, i32) {
    %c0_i32 = arith.constant 0 : i32
    %c0_i32_0 = arith.constant 0 : i32
    return %arg0, %c0_i32 : i32, i32
  }
  func.func @transform_6(%arg0: i32) -> (i32, i32) {
    %c0_i32 = arith.constant 0 : i32
    %c0_i32_0 = arith.constant 0 : i32
    %c0_i32_1 = arith.constant 0 : i32
    return %c0_i32, %c0_i32_0 : i32, i32
  }
}

module attributes {stable_mosaic.version = 14 : i64} {
  func.func @_c3_body(%arg0: i32, %arg1: memref<1024x256xf32, #tpu.memory_space<vmem>>, %arg2: memref<8x256xf32, #tpu.memory_space<vmem>>, %arg3: memref<1x256xf32, #tpu.memory_space<vmem>>, %arg4: memref<1x256xf32, #tpu.memory_space<vmem>>, %arg5: memref<1024x256xf32, #tpu.memory_space<vmem>>) attributes {dimension_semantics = [#tpu.dimension_semantics<arbitrary>], iteration_bounds = array<i64: 4>, scalar_prefetch = 0 : i64, scratch_operands = 0 : i64, tpu.core_type = #tpu.core_type<tc>, window_params = [{transform_indices = @transform_0, window_bounds = array<i64: 1024, 256>}, {pipeline_mode = #tpu.pipeline_mode<synchronous>, transform_indices = @transform_1, window_bounds = array<i64: 8, 256>}, {pipeline_mode = #tpu.pipeline_mode<synchronous>, transform_indices = @transform_2, window_bounds = array<i64: 1, 256>}, {pipeline_mode = #tpu.pipeline_mode<synchronous>, transform_indices = @transform_3, window_bounds = array<i64: 1, 256>}, {transform_indices = @transform_4, window_bounds = array<i64: 1024, 256>}]} {
    %get3A = arith.constant 0 : index
    %get3A_0 = arith.constant 0 : index
    %get3A_1 = vector.load %arg2[%get3A, %get3A_0] : memref<8x256xf32, #tpu.memory_space<vmem>>, vector<8x256xf32>
    %slice3A = vector.extract_strided_slice %get3A_1 {offsets = [0, 0], sizes = [1, 256], strides = [1, 1]} : vector<8x256xf32> to vector<1x256xf32>
    %mul3A = arith.constant 7.62939453E-6 : f32
    %mul3A_2 = vector.broadcast %mul3A : f32 to vector<1x256xf32>
    %mul3A_3 = arith.mulf %slice3A, %mul3A_2 : vector<1x256xf32>
    %slice3A_4 = vector.extract_strided_slice %get3A_1 {offsets = [1, 0], sizes = [1, 256], strides = [1, 1]} : vector<8x256xf32> to vector<1x256xf32>
    %mul3A_5 = arith.constant 7.62939453E-6 : f32
    %mul3A_6 = vector.broadcast %mul3A_5 : f32 to vector<1x256xf32>
    %mul3A_7 = arith.mulf %slice3A_4, %mul3A_6 : vector<1x256xf32>
    %mul3A_8 = arith.mulf %mul3A_3, %mul3A_3 : vector<1x256xf32>
    %sub3A = arith.subf %mul3A_7, %mul3A_8 : vector<1x256xf32>
    %add3A = arith.constant 9.99999974E-6 : f32
    %add3A_9 = vector.broadcast %add3A : f32 to vector<1x256xf32>
    %add3A_10 = arith.addf %sub3A, %add3A_9 : vector<1x256xf32>
    %sqrt3A = math.sqrt %add3A_10 : vector<1x256xf32>
    %div3A = arith.constant 1.000000e+00 : f32
    %div3A_11 = vector.broadcast %div3A : f32 to vector<1x256xf32>
    %div3A_12 = arith.divf %div3A_11, %sqrt3A : vector<1x256xf32>
    %get3A_13 = arith.constant 0 : index
    %get3A_14 = arith.constant 0 : index
    %get3A_15 = vector.load %arg3[%get3A_13, %get3A_14] : memref<1x256xf32, #tpu.memory_space<vmem>>, vector<1x256xf32>
    %mul3A_16 = arith.mulf %div3A_12, %get3A_15 : vector<1x256xf32>
    %get3A_17 = arith.constant 0 : index
    %get3A_18 = arith.constant 0 : index
    %get3A_19 = vector.load %arg4[%get3A_17, %get3A_18] : memref<1x256xf32, #tpu.memory_space<vmem>>, vector<1x256xf32>
    %mul3A_20 = arith.mulf %mul3A_3, %mul3A_16 : vector<1x256xf32>
    %sub3A_21 = arith.subf %get3A_19, %mul3A_20 : vector<1x256xf32>
    %get3A_22 = arith.constant 0 : index
    %get3A_23 = arith.constant 0 : index
    %get3A_24 = vector.load %arg1[%get3A_22, %get3A_23] : memref<1024x256xf32, #tpu.memory_space<vmem>>, vector<1024x256xf32>
    %mul3A_25 = vector.broadcast %mul3A_16 : vector<1x256xf32> to vector<1024x256xf32>
    %mul3A_26 = arith.mulf %get3A_24, %mul3A_25 : vector<1024x256xf32>
    %add3A_27 = vector.broadcast %sub3A_21 : vector<1x256xf32> to vector<1024x256xf32>
    %add3A_28 = arith.addf %mul3A_26, %add3A_27 : vector<1024x256xf32>
    %max3A = arith.constant 0.000000e+00 : f32
    %max3A_29 = vector.broadcast %max3A : f32 to vector<1024x256xf32>
    %max3A_30 = arith.maximumf %add3A_28, %max3A_29 : vector<1024x256xf32>
    %swap3A = arith.constant 0 : index
    %swap3A_31 = arith.constant 0 : index
    %swap3A_32 = vector.load %arg5[%swap3A, %swap3A_31] : memref<1024x256xf32, #tpu.memory_space<vmem>>, vector<1024x256xf32>
    tpu.vector_store %arg5[%swap3A, %swap3A_31], %max3A_30 {strides = array<i32>} : memref<1024x256xf32, #tpu.memory_space<vmem>>, vector<1024x256xf32>,
    return
  }
  func.func @transform_0(%arg0: i32) -> (i32, i32) {
    %c0_i32 = arith.constant 0 : i32
    %c0_i32_0 = arith.constant 0 : i32
    return %arg0, %c0_i32 : i32, i32
  }
  func.func @transform_1(%arg0: i32) -> (i32, i32) {
    %c0_i32 = arith.constant 0 : i32
    %c0_i32_0 = arith.constant 0 : i32
    %c0_i32_1 = arith.constant 0 : i32
    return %c0_i32, %c0_i32_0 : i32, i32
  }
  func.func @transform_2(%arg0: i32) -> (i32, i32) {
    %c0_i32 = arith.constant 0 : i32
    %c0_i32_0 = arith.constant 0 : i32
    %c0_i32_1 = arith.constant 0 : i32
    return %c0_i32, %c0_i32_0 : i32, i32
  }
  func.func @transform_3(%arg0: i32) -> (i32, i32) {
    %c0_i32 = arith.constant 0 : i32
    %c0_i32_0 = arith.constant 0 : i32
    %c0_i32_1 = arith.constant 0 : i32
    return %c0_i32, %c0_i32_0 : i32, i32
  }
  func.func @transform_4(%arg0: i32) -> (i32, i32) {
    %c0_i32 = arith.constant 0 : i32
    %c0_i32_0 = arith.constant 0 : i32
    return %arg0, %c0_i32 : i32, i32
  }
}

</mosaic_0001>

<sc_bundles>
// kernel: kernel.7.cloned.1.call-start
scs
__scs_entry_jumppad:
0x0: {  	(pc) =	sbr.rel $0x88, $3  }
0x1: {  	(tag) =	ssettag $0x0;
	lr =	simm.s32 $0x1  }
0x2: {  	[smem:$0x3F99] =	sst lr;
	_ =	strace $0xD0000000  }
0x3: {  	_ = 	snop  }
0x4: {  	_ = 	snop  }
0x5: {  	_ = 	snop  }
0x6: {  	_ = 	snop  }
0x7: {  	_ = 	snop  }
__scs_overlays_trampoline_lowered:
0x8: {  	[smem:$0x3FA8] =	sst s0  }
0x9: {  	[smem:$0x3FA9] =	sst s1  }
0xa: {  	[smem:$0x3FAA] =	sst s2  }
0xb: {  	[smem:$0x3FAB] =	sst s3  }
0xc: {  	[smem:$0x3FAC] =	sst s4  }
0xd: {  	[smem:$0x3FAD] =	sst s5  }
0xe: {  	[smem:$0x3FAE] =	sst s6  }
0xf: {  	[smem:$0x3FAF] =	sst s7  }
0x10: {  	[smem:$0x3FB0] =	sst s8  }
0x11: {  	[smem:$0x3FB1] =	sst s9;
	s0 =	simm.s32 @!p0 $0x0  }
0x12: {  	s1 =	sld [smem:$0x3F97];
	s0 =	simm.s32 @p0 $0x1  }
0x13: {  	[smem:$0x3FB2] =	sst s0;
	s0 =	simm.s32 @!p1 $0x0  }
0x14: {  	s2 =	sld [smem:$0x3F96];
	s0 =	simm.s32 @p1 $0x1  }
0x15: {  	[smem:$0x3FB3] =	sst s0;
	s0 =	simm.s32 @!p2 $0x0  }
0x16: {  	s3 =	sld [smem:$0x3FDB];
	s0 =	simm.s32 @p2 $0x1  }
0x17: {  	s4 =	simm.s32 $0x1BF5;
	[smem:$0x3FB5] =	sst s0  }
0x18: {  	s0 =	sld [smem:$0x3F98];
	_ =	swait.ge [sflag:s4], $0x0  }
0x19: {  	s7 =	sld [smem:$0x3F99]  }
0x1a: {  	s8 =	sadd.s32 $0xFFFFE003, lr  }
0x1b: {  	s9 =	sadd.s32 $0xFFFFFEF7, lr;
	s5 =	simm.s32 $0xFFFFFFFF;
	p2 =	slt.u32 s8, $0xFFFFF086  }
0x1c: {  	p1 =	slt.u32 s9, $0xF7A;
	s5 =	simm.s32 @!p2 $0x0  }
0x1d: {  	s5 =	simm.s32 @p1 $0x1;
	p0 =	seq.s32 s7, s2  }
0x1e: {  	s7 =	smul.u32 @!p0 $0xF7A, s2;
	p2 =	seq.s32 @!p0 s5, $0x0  }
0x1f: {  	s9 =	smul.u32 $0xF7A, s1;
	s8 =	simm.s32 @!p0 $0x1BF5;
	p2 =	por !p2, p0  }
0x20: {  	[sflag:s8] =	ssyncset.s32 @!p0 $0xFFFFF086;
	s6 =	sadd.s32 @!p0 s3, s7;
	s7 =	simm.s32 @!p0 $0x108  }
0x21: {  	s3 =	sadd.s32 s3, s9;
	s6 =	sadd.s32 @!p0 $0x88, s6;
	s7 =	simm.s32 @p2 $0x1082  }
0x22: {  	[simem:s7], [sflag:s8] =	dma.local @!p0 [hbm:s6], $0xF7A  }
0x23: {  	s9 =	sor.u32 $0xD0000000, s2;
	s6 =	simm.s32 $0x108;
	_ =	swait.ge @!p0 [sflag:s8], $0x0  }
0x24: {  	s3 =	sadd.s32 $0x88, s3;
	s6 =	simm.s32 @!p1 $0x1082;
	[sflag:s4] =	ssyncset.s32 $0xFFFFF086  }
0x25: {  	[simem:s6], [sflag:s4] =	dma.local [hbm:s3], $0xF7A  }
0x26: {  	[smem:$0x3F99] =	sst s1;
	(tag) =	ssettag s2;
	_ =	strace s9  }
0x27: {  	s1 =	sld [smem:$0x3FA9]  }
0x28: {  	s2 =	sld [smem:$0x3FAA]  }
0x29: {  	s4 =	sld [smem:$0x3FAC]  }
0x2a: {  	p0 =	seq.s32 s5, $0x0;
	s5 =	sld [smem:$0x3FAD]  }
0x2b: {  	s6 =	sld [smem:$0x3FAE]  }
0x2c: {  	s7 =	sld [smem:$0x3FAF]  }
0x2d: {  	s3 =	simm.s32 $0x108;
	s8 =	sld [smem:$0x3FB0]  }
0x2e: {  	s3 =	simm.s32 @!p0 $0x1082;
	s9 =	sld [smem:$0x3FB1]  }
0x2f: {  	lr =	sadd.s32 s0, s3;
	s0 =	sld [smem:$0x3FA8]  }
0x30: {  	s3 =	sld [smem:$0x3FAB]  }
0x31: {  	[smem:$0x3FB4] =	sst s10  }
0x32: {  	s10 =	sld [smem:$0x3FB2];
	_ =	sdelay $0x3  }
0x33: {  	p0 =	seq.s32 s10, $0x1;
	s10 =	sld [smem:$0x3FB4];
	_ =	sdelay $0x3  }
0x34: {  	[smem:$0x3FB4] =	sst s10  }
0x35: {  	s10 =	sld [smem:$0x3FB3];
	_ =	sdelay $0x3  }
0x36: {  	p1 =	seq.s32 s10, $0x1;
	s10 =	sld [smem:$0x3FB4];
	_ =	sdelay $0x3  }
0x37: {  	[smem:$0x3FB4] =	sst s10  }
0x38: {  	s10 =	sld [smem:$0x3FB5]  }
0x39: {  	_ = 	snop;
	(pc) =	sbr.ind lr, $3  }
0x3a: {  	_ = 	snop  }
0x3b: {  	_ = 	snop  }
0x3c: {  	p2 =	seq.s32 s10, $0x1;
	s10 =	sld [smem:$0x3FB4]  }
0x3d: {  	_ =	shalt  }
0x3e: {  	_ =	shalt  }
0x3f: {  	_ =	shalt  }
0x40: {  	_ =	shalt  }
0x41: {  	_ =	shalt  }
0x42: {  	_ =	shalt  }
0x43: {  	_ =	shalt  }
0x44: {  	_ =	shalt  }
0x45: {  	_ =	shalt  }
0x46: {  	_ =	shalt  }
0x47: {  	_ =	shalt  }
0x48: {  	_ =	shalt  }
0x49: {  	_ =	shalt  }
0x4a: {  	_ =	shalt  }
0x4b: {  	_ =	shalt  }
0x4c: {  	_ =	shalt  }
0x4d: {  	_ =	shalt  }
0x4e: {  	_ =	shalt  }
0x4f: {  	_ =	shalt  }
0x50: {  	_ =	shalt  }
0x51: {  	_ =	shalt  }
0x52: {  	_ =	shalt  }
0x53: {  	_ =	shalt  }
0x54: {  	_ =	shalt  }
0x55: {  	_ =	shalt  }
0x56: {  	_ =	shalt  }
0x57: {  	_ =	shalt  }
0x58: {  	_ =	shalt  }
0x59: {  	_ =	shalt  }
0x5a: {  	_ =	shalt  }
0x5b: {  	_ =	shalt  }
0x5c: {  	_ =	shalt  }
0x5d: {  	_ =	shalt  }
0x5e: {  	_ =	shalt  }
0x5f: {  	_ =	shalt  }
0x60: {  	_ =	shalt  }
0x61: {  	_ =	shalt  }
0x62: {  	_ =	shalt  }
0x63: {  	_ =	shalt  }
0x64: {  	_ =	shalt  }
0x65: {  	_ =	shalt  }
0x66: {  	_ =	shalt  }
0x67: {  	_ =	shalt  }
0x68: {  	_ =	shalt  }
0x69: {  	_ =	shalt  }
0x6a: {  	_ =	shalt  }
0x6b: {  	_ =	shalt  }
0x6c: {  	_ =	shalt  }
0x6d: {  	_ =	shalt  }
0x6e: {  	_ =	shalt  }
0x6f: {  	_ =	shalt  }
0x70: {  	_ =	shalt  }
0x71: {  	_ =	shalt  }
0x72: {  	_ =	shalt  }
0x73: {  	_ =	shalt  }
0x74: {  	_ =	shalt  }
0x75: {  	_ =	shalt  }
0x76: {  	_ =	shalt  }
0x77: {  	_ =	shalt  }
0x78: {  	_ =	shalt  }
0x79: {  	_ =	shalt  }
0x7a: {  	_ =	shalt  }
0x7b: {  	_ =	shalt  }
0x7c: {  	_ =	shalt  }
0x7d: {  	_ =	shalt  }
0x7e: {  	_ =	shalt  }
0x7f: {  	_ =	shalt  }
0x80: {  	_ =	shalt  }
0x81: {  	_ =	shalt  }
0x82: {  	_ =	shalt  }
0x83: {  	_ =	shalt  }
0x84: {  	_ =	shalt  }
0x85: {  	_ =	shalt  }
0x86: {  	_ =	shalt  }
0x87: {  	_ =	shalt  }
.Lfunc_end0:
.L_simem_size_0:
called_computation_lowered:
.L_overlay_start_0:
0x88: {  	s2 =	sld [smem:$0x3FD9]  }
0x89: {  	s3 =	sld [smem:$0x3FFE];
	_ =	sdelay $0x1  }
0x8a: {  	s1 =	srdreg.scid  }
0x8b: {  	s0 =	sand.u32 $0x1, s1  }
0x8c: {  	s14 =	sshll.u32 s0, $0xA;
	s2 =	sadd.s32 s3, s2  }
0x8d: {  	s2 =	sadd.s32 s2, s14  }
0x8e: {  	[smem:$0x3FC0] =	sst s2  }
0x8f: {  	_ = 	snop  }
0x90: {  	s2 =	sld [smem:$0x3FD0];
	_ =	sdelay $0x2  }
0x91: {  	s15 =	simm.s32 $0xA;
	s4 =	simm.s32 $0x10  }
0x92: {  	[smem:s4], [sflag:s15] =	dma.local [hbm:s2], $0x1  }
0x93: {  	_ =	swait.eq [sflag:s15], $0x1  }
0x94: {  	[sflag:s15] =	ssyncset.done $0x0  }
0x95: {  	[sflag:s15] =	ssyncadd.s32 $0xFFFFFFFF  }
0x96: {  	s16 =	sld [smem:$0x11];
	(tm) =	ssettm $0x1  }
0x97: {  	s17 =	sld [smem:$0x3FFB];
	_ =	sdelay $0x3  }
0x98: {  	_ =	strace s17  }
0x99: {  	s3 =	sld [smem:$0x3FFC];
	_ =	sdelay $0x3  }
0x9a: {  	_ =	strace s3  }
0x9b: {  	s3 =	sld [smem:$0x3FFD];
	_ =	sdelay $0x3  }
0x9c: {  	_ =	strace s3  }
0x9d: {  	_ =	strace $0x8FFFFFFF  }
0x9e: {  	s18 =	sld [smem:$0x3FDB];
	_ =	sdelay $0x1  }
0x9f: {  	s19 =	simm.s32 $_scs_section_size  }
0xa0: {  	s5 =	simm.s32 $_size__tile_overlayer_lowered;
	s6 =	simm.s32 $_tile_overlayer_lowered  }
0xa1: {  	s22 =	simm.s32 $0x1BFF;
	s21 =	sshll.u32 s6, $0x1;
	s3 =	sadd.s32 s19, s18  }
0xa2: {  	s7 =	simm.s32 $0x0;
	s20 =	sshll.u32 s5, $0x1;
	s5 =	sadd.s32 s21, s3  }
0xa3: {  	[timem:s7], [sflag:s22] =	dma.local [hbm:s5], s20  }
0xa4: {  	_ =	swait.ge [sflag:s22], s20  }
0xa5: {  	s4 =	ssub.s32 $0x0, s20;
	[sflag:s22] =	ssyncset.done $0x0  }
0xa6: {  	[sflag:s22] =	ssyncadd.s32 s4;
	_ =	sdelay $0x1  }
0xa7: {  	s23 =	simm.s32 $0x1B8B  }
0xa8: {  	_ =	swait.ge [sflag:s23], $0x1  }
0xa9: {  	[sflag:s23] =	ssyncset.done $0x0  }
0xaa: {  	s25 =	simm.s32 $0x1B8E;
	s24 =	sld [smem:$0x3FFE];
	[sflag:s23] =	ssyncadd.s32 $0xFFFFFFFF  }
0xab: {  	s26 =	simm.s32 $execute0_lowered;
	[smem:$0x3FD2] =	sst s25  }
0xac: {  	s5 =	sshll.u32 s26, $0x1;
	_ =	strace $0x80000046;
	[dreg:$0x1] =	wrdreg $0xFFFFFFFF  }
0xad: {  	s28 =	simm.s32 $_size_execute0_lowered;
	s3 =	sadd.s32 s3, s5;
	[dreg:$0x0] =	wrdreg $0x0  }
0xae: {  	s5 =	sshll.u32 s28, $0x1;
	[dreg:$0x2] =	wrdreg s3  }
0xaf: {  	[dreg:$0x3] =	wrdreg s5  }
0xb0: {  	[dreg:$0x4] =	wrdreg $0xC0  }
0xb1: {  	_ =	task [dreg:s7], $0x5FFFF  }
0xb2: {  	[dreg:$0x1] =	wrdreg $0xFFFFFFFF  }
0xb3: {  	[dreg:$0x0] =	wrdreg $0x60  }
0xb4: {  	[dreg:$0x2] =	wrdreg s24  }
0xb5: {  	[dreg:$0x3] =	wrdreg s16  }
0xb6: {  	[dreg:$0x4] =	wrdreg $0x9  }
0xb7: {  	_ =	task.clear_ibuf [dreg:s7], $0x5FFFF;
	_ =	strace $0x90000046  }
0xb8: {  	s29 =	simm.s32 $0x9;
	_ =	strace $0x80000048  }
0xb9: {  	_ =	swait.ge [sflag:s29], $0x1  }
0xba: {  	[sflag:s29] =	ssyncadd.s32 $0xFFFFFFFF  }
0xbb: {  	_ =	strace $0x90000048  }
0xbc: {  	_ =	sfence  }
0xbd: {  	s30 =	sld [smem:$0x0];
	_ =	sdelay $0x2  }
0xbe: {  	s31 =	sshll.u32 s1, $0xD;
	s1 =	sshrl.u32 s1, $0x2  }
0xbf: {  	s3 =	sand.u32 $0x4000, s31;
	s1 =	sadd.s32 s1, s30  }
0xc0: {  	s0 =	sor.u32 s3, s0;
	s1 =	sshll.u32 s1, $0x11  }
0xc1: {  	s0 =	sor.u32 s1, s0  }
0xc2: {  	s0 =	sadd.s32 $0x8F2B, s0  }
0xc3: {  	[sflag:s0] =	ssyncadd.remote.s32 $0x1  }
0xc4: {  	_ =	sfence.sel $0xFFFF  }
0xc5: {  	[dreg:$0x0] =	wrdreg $0xFFFFFFFF;
	(pc) =	sbr.abs _section_cstart, $3  }
0xc6: {  	[dreg:$0x1] =	wrdreg $0xFFFFFFFF  }
0xc7: {  	_ =	task.clear_ibuf [dreg:s7], $0x2FFFF;
	_ =	strace $0x9FFFFFFF  }
0xc8: {  	(tm) =	ssettm $0x7FFFFFFF  }
0xc9: {  	_ =	shalt  }
tec
execute0_lowered:
.L_overlay_start_1:
0x0: {  	(tag) =	ssettag $0x1  }
0x1: {  	s4 =	rddreg [dreg:$0x0]  }
0x2: {  	s5 =	rddreg [dreg:$0x1]  }
0x3: {  	s0 =	rddreg [dreg:$0x2]  }
0x4: {  	s2 =	simm.s32 $0x0;
	s1 =	stileid.u32;
	s7 =	srdreg.scid  }
0x5: {  	s11 =	simm.s32 $0x1;
	s12 =	simm.s32 $0x2;
	s13 =	simm.s32 $0x0  }
0x6: {  	[smem:$0x7FF] =	sst s2;
	s6 =	sshll.u32 s1, $0x11;
	s3 =	sadd.s32 $0x1800, s4  }
0x7: {  	s30 =	sand.u32 $0x1, s7;
	s8 =	sshll.u32 s1, $0xA;
	_ =	strace $0x80000047  }
0x8: {  	s6 =	sadd.s32 s6, s4;
	s7 =	ssub.s32 $0x2, s30;
	s9 =	sshll.u32 s30, $0x9  }
0x9: {  	s31 =	sshll.u32 s30, $0x10;
	s10 =	sshrl.u32 s7, $0x1;
	s8 =	sor.u32 s9, s8  }
0xa: {  	s6 =	sadd.s32 s31, s6;
	s9 =	simm.s32 $0x1000;
	s7 =	ssub.s32 s7, s10  }
0xb: {  	s4 =	sadd.s32 s5, s8;
	s6 =	sadd.s32 $0x41800, s6;
	s8 =	simm.s32 $0x80  }
0xc: {  	s10 =	simm.s32 $0x5000;
	s5 =	smax.u32 s7, $0x1;
	s7 =	simm.s32 $0x3  }
.LBB2_1:
0xd: {  	[tilespmem:s2], [sflag:$0x3] =	stream.linear.gather [hbm4b:s4+s2], $0x1000, $0x38;
	[tilespmem:$0x9000] =	vst v63  }
0xe: {  	_ =	swait.ge [sflag:s7], $0x1000  }
0xf: {  	[sflag:s7] =	ssyncset.done $0x0  }
0x10: {  	s14 =	simm.s32 $0x0;
	[sflag:s7] =	ssyncadd.s32 $0xFFFFF000  }
0x11: {  	[tilespmem:s9], [sflag:$0x1] =	stream.indirect.gather [hbm4b:s3+s8], $0x80, s14, s8, $0xb8;
	[tilespmem:$0x9000] =	vst v63  }
0x12: {  	s30 =	simm.s32 $0x80  }
0x13: {  	[tilespmem:s10], [sflag:$0x2] =	stream.indirect.gather [hbm4b:s3+s8], $0x80, s30, s8, $0xb8;
	[tilespmem:$0x9000] =	vst v63  }
0x14: {  	_ =	swait.ge [sflag:s11], $0x4000  }
0x15: {  	[sflag:s11] =	ssyncset.done $0x0  }
0x16: {  	[sflag:s11] =	ssyncadd.s32 $0xFFFFC000  }
0x17: {  	[hbm4b:s6+s2] =	stream.linear.scatter [tilespmem:s9], [sflag:$0x3], $0x4000, $0x38;
	[tilespmem:$0x9000] =	vst v63  }
0x18: {  	_ =	swait.ge [sflag:s7], $0x4000  }
0x19: {  	[sflag:s7] =	ssyncset.done $0x0  }
0x1a: {  	[sflag:s7] =	ssyncadd.s32 $0xFFFFC000  }
0x1b: {  	_ =	swait.ge [sflag:s12], $0x4000  }
0x1c: {  	[sflag:s12] =	ssyncset.done $0x0  }
0x1d: {  	s31 =	sadd.s32 $0x800, s6;
	[sflag:s12] =	ssyncadd.s32 $0xFFFFC000  }
0x1e: {  	[hbm4b:s31+s2] =	stream.linear.scatter [tilespmem:s10], [sflag:$0x3], $0x4000, $0x38;
	[tilespmem:$0x9000] =	vst v63  }
0x1f: {  	s15 =	simm.s32 $0x400;
	_ =	swait.ge [sflag:s7], $0x4000  }
0x20: {  	s16 =	simm.s32 $0x800;
	s14 =	sadd.s32 $0x1000, s6;
	[sflag:s7] =	ssyncset.done $0x0  }
.LBB2_2:
0x21: {  	s17 =	sshra.s32 s15, $0x2  }
0x22: {  	[sflag:s7] =	ssyncadd.s32 $0xFFFFC000;
	s15 =	smov.u32 s16;
	s18 =	sadd.s32 $0x400, s16  }
0x23: {  	[tilespmem:s9], [sflag:$0x1] =	stream.indirect.gather [hbm4b:s3+s8], $0x80, s17, s8, $0xb8;
	[tilespmem:$0x9000] =	vst v63  }
0x24: {  	p0 =	sne.s32 s16, $0x3C00;
	s16 =	sadd.s32 $0x80, s17  }
0x25: {  	[tilespmem:s10], [sflag:$0x2] =	stream.indirect.gather [hbm4b:s3+s8], $0x80, s16, s8, $0xb8;
	[tilespmem:$0x9000] =	vst v63  }
0x26: {  	_ =	swait.ge [sflag:s11], $0x4000  }
0x27: {  	[sflag:s11] =	ssyncset.done $0x0  }
0x28: {  	[sflag:s11] =	ssyncadd.s32 $0xFFFFC000  }
0x29: {  	[hbm4b:s14+s2] =	stream.linear.scatter [tilespmem:s9], [sflag:$0x3], $0x4000, $0x38;
	[tilespmem:$0x9000] =	vst v63  }
0x2a: {  	_ =	swait.ge [sflag:s7], $0x4000  }
0x2b: {  	[sflag:s7] =	ssyncset.done $0x0  }
0x2c: {  	[sflag:s7] =	ssyncadd.s32 $0xFFFFC000  }
0x2d: {  	_ =	swait.ge [sflag:s12], $0x4000  }
.Ltmp0:
0x2e: {  	[sflag:s12] =	ssyncset.done $0x0;
	(pc) =	sbr.rel @p0 .LBB2_2-.Ltmp0, $4  }
0x2f: {  	s16 =	sadd.s32 $0x800, s14;
	[sflag:s12] =	ssyncadd.s32 $0xFFFFC000  }
0x30: {  	[hbm4b:s16+s2] =	stream.linear.scatter [tilespmem:s10], [sflag:$0x3], $0x4000, $0x38;
	[tilespmem:$0x9000] =	vst v63  }
0x31: {  	_ =	swait.ge [sflag:s7], $0x4000  }
0x32: {  	s14 =	sadd.s32 $0x1000, s14;
	s16 =	smov.u32 s18;
	[sflag:s7] =	ssyncset.done $0x0  }
0x33: {  	s15 =	sshra.s32 s15, $0x2;
	[sflag:s7] =	ssyncadd.s32 $0xFFFFC000  }
0x34: {  	[tilespmem:s9], [sflag:$0x1] =	stream.indirect.gather [hbm4b:s3+s8], $0x80, s15, s8, $0xb8;
	[tilespmem:$0x9000] =	vst v63  }
0x35: {  	s15 =	sadd.s32 $0x80, s15  }
0x36: {  	[tilespmem:s10], [sflag:$0x2] =	stream.indirect.gather [hbm4b:s3+s8], $0x80, s15, s8, $0xb8;
	[tilespmem:$0x9000] =	vst v63  }
0x37: {  	_ =	swait.ge [sflag:s11], $0x4000  }
0x38: {  	[sflag:s11] =	ssyncset.done $0x0  }
0x39: {  	[sflag:s11] =	ssyncadd.s32 $0xFFFFC000  }
0x3a: {  	[hbm4b:s14+s2] =	stream.linear.scatter [tilespmem:s9], [sflag:$0x3], $0x4000, $0x38;
	[tilespmem:$0x9000] =	vst v63  }
0x3b: {  	_ =	swait.ge [sflag:s7], $0x4000  }
0x3c: {  	[sflag:s7] =	ssyncset.done $0x0  }
0x3d: {  	[sflag:s7] =	ssyncadd.s32 $0xFFFFC000  }
0x3e: {  	s13 =	sadd.s32 $0x1, s13;
	_ =	swait.ge [sflag:s12], $0x4000  }
0x3f: {  	p0 =	sne.s32 s13, s5;
	[sflag:s12] =	ssyncset.done $0x0  }
.Ltmp1:
0x40: {  	s31 =	sadd.s32 $0x800, s14;
	[sflag:s12] =	ssyncadd.s32 $0xFFFFC000;
	(pc) =	sbr.rel @p0 .LBB2_1-.Ltmp1, $4  }
0x41: {  	[hbm4b:s31+s2] =	stream.linear.scatter [tilespmem:s10], [sflag:$0x3], $0x4000, $0x38;
	[tilespmem:$0x9000] =	vst v63  }
0x42: {  	_ =	swait.ge [sflag:s7], $0x4000  }
0x43: {  	[sflag:s7] =	ssyncset.done $0x0  }
0x44: {  	[sflag:s7] =	ssyncadd.s32 $0xFFFFC000  }
0x45: {  	_ =	sfence.sel $0x180000  }
0x46: {  	[bflag:$0x0] =	sbarrier.arrive $0xFFFF  }
0x47: {  	p0 =	sne.s32 s1, $0x0;
	_ =	strace $0x90000047  }
0x48: {  	s0 =	sadd.s32 @!p0 $0x100000, s0;
	[bflag:$0x2] =	sbarrier.arrive $0xFFFF  }
0x49: {  	[sflag:s0] =	ssyncadd.tile.s32 @!p0 $0x1;
	_ =	shalt  }
.Lfunc_end2:
_tile_overlayer_lowered:
.L_overlay_start_2:
0x4a: {  	(tag) =	ssettag $0x2  }
0x4b: {  	s0 =	rddreg [dreg:$0x0];
	s2 =	stileid.u32  }
0x4c: {  	s1 =	rddreg [dreg:$0x1];
	p0 =	sne.s32 s2, $0x0  }
0x4d: {  	s3 =	rddreg [dreg:$0x2];
	[bflag:$0x3] =	sbarrier.arrive $0xFFFF;
	s2 =	simm.s32 @!p0 $0x1C03  }
0x4e: {  	[timem:s3], [sflag:s2] =	dma.local @!p0 [hbm:s0], s1  }
0x4f: {  	s0 =	simm.s32 @!p0 $0x3  }
0x50: {  	_ =	swait.ge @!p0 [sflag:s0], s1  }
0x51: {  	s1 =	ssub.s32 @!p0 $0x0, s1;
	[sflag:s0] =	ssyncset.done @!p0 $0x0  }
0x52: {  	[sflag:s0] =	ssyncadd.s32 @!p0 s1  }
0x53: {  	[bflag:$0x3] =	sbarrier.arrive $0xFFFF  }
0x54: {  	_ =	shalt  }

</sc_bundles>
